<compile_context>
chip_gen: v7x
topology: tpu7x:2x2x1
jax: 0.10.2.dev20260603
libtpu: 0.0.44.dev20260713+nightly
codegen_flags: <defaults>
</compile_context>

<pallas_src>
import functools

import jax
import jax.numpy as jnp
from jax import lax
from jax.experimental import pallas as pl
from jax.experimental.pallas import tpu as pltpu
from jax.experimental.pallas import tpu_sc as plsc

EMBED_DIM = 128
VOCAB_ROWS = 65
TBL_STRIDE = 72
LSEQ_PAD = 56


def _tc_prep(i1, i2, t1, t2):
    b, l = i1.shape

    def body(i1_ref, i2_ref, t1_ref, t2_ref, pidx_ref, t12_ref):
        p = i1_ref[...] * TBL_STRIDE + i2_ref[...]
        pidx_ref[:l, :] = p.T
        t2v = t2_ref[...]
        for i in range(VOCAB_ROWS):
            t12_ref[pl.ds(i * TBL_STRIDE, VOCAB_ROWS), :] = \
                t1_ref[i:i + 1, :] + t2v

    pidx, t12 = pl.pallas_call(
        body,
        out_shape=(
            jax.ShapeDtypeStruct((LSEQ_PAD, b), jnp.int32),
            jax.ShapeDtypeStruct((VOCAB_ROWS * TBL_STRIDE, EMBED_DIM),
                                 jnp.float32),
        ),
    )(i1, i2, t1, t2)
    return pidx.reshape(LSEQ_PAD * b), t12


def _make_sc_kernel(n_rows: int, chunk: int, nbuf: int, num_workers: int):
    per_w = n_rows // num_workers
    n_chunks = per_w // chunk
    assert n_chunks % nbuf == 0 and n_chunks >= 2 * nbuf
    mesh = plsc.VectorSubcoreMesh(core_axis_name="c", subcore_axis_name="s")

    @functools.partial(
        pl.kernel,
        mesh=mesh,
        out_type=jax.ShapeDtypeStruct((n_rows, EMBED_DIM), jnp.float32),
        scratch_types=[
            pltpu.VMEM((per_w,), jnp.int32),
            pltpu.VMEM((nbuf, chunk, EMBED_DIM), jnp.float32),
            pltpu.VMEM_SHARED((VOCAB_ROWS * TBL_STRIDE, EMBED_DIM),
                              jnp.float32),
        ]
        + [pltpu.SemaphoreType.DMA] * (2 * nbuf),
    )
    def sc_kernel(pidx_hbm, t12_hbm, out_hbm,
                  pidx_v, rows_v, t12_sh, *sems):
        gsem = sems[:nbuf]
        osem = sems[nbuf:]
        sid = lax.axis_index("s")
        wid = sid * 2 + lax.axis_index("c")
        base = wid * per_w
        stg = 296

        @pl.when(sid < 15)
        def _():
            pltpu.sync_copy(t12_hbm.at[pl.ds(sid * stg, stg)],
                            t12_sh.at[pl.ds(sid * stg, stg)])

        @pl.when(sid == 15)
        def _():
            pltpu.sync_copy(t12_hbm.at[pl.ds(15 * stg, 240)],
                            t12_sh.at[pl.ds(15 * stg, 240)])
        pltpu.sync_copy(pidx_hbm.at[pl.ds(base, per_w)], pidx_v)
        plsc.subcore_barrier()

        def gather(g, s):
            pltpu.async_copy(
                t12_sh.at[pidx_v.at[pl.ds(g * chunk, chunk)]],
                rows_v.at[s], gsem[s])

        def gather_wait(s):
            pltpu.make_async_copy(
                t12_hbm.at[pl.ds(0, chunk)], rows_v.at[s], gsem[s]).wait()

        def out_start(g, s):
            pltpu.async_copy(
                rows_v.at[s],
                out_hbm.at[pl.ds(base + g * chunk, chunk)], osem[s])

        def out_wait(s):
            pltpu.make_async_copy(
                rows_v.at[s], out_hbm.at[pl.ds(0, chunk)], osem[s]).wait()

        for s in range(nbuf):
            gather(s, s)

        def ring(i, _):
            g0 = i * nbuf
            for s in range(nbuf):
                g = g0 + s
                gather_wait(s)
                out_start(g, s)
                nxt = g + nbuf

                @pl.when(nxt < n_chunks)
                def _():
                    out_wait(s)
                    gather(nxt, s)
            return 0

        lax.fori_loop(0, n_chunks // nbuf, ring, 0, unroll=False)
        for s in range(nbuf):
            out_wait(s)

    return sc_kernel


def kernel(initial_position_indexes, destination_indexes,
           initial_position_table, destination_table):
    b, l = initial_position_indexes.shape
    pidx, t12 = _tc_prep(
        initial_position_indexes.astype(jnp.int32),
        destination_indexes.astype(jnp.int32),
        initial_position_table, destination_table)
    sc = _make_sc_kernel(n_rows=l * b, chunk=160, nbuf=4, num_workers=32)
    out_flat = sc(pidx, t12)
    return out_flat.reshape(l, b, EMBED_DIM).transpose(1, 0, 2)

# --- scband reference (transcript-rebuilt; emitter-appended) ---
"""Pipeline reference for scband-chess-former-decoder-embedding-13391708029018 (READ-ONLY COPY).

The authoritative reference and input builder live on the scoring server;
editing this copy changes nothing except your own understanding.
"""

import jax, jax.numpy as jnp
import numpy as np

EMBED_DIM = 128
VOCAB = 65
B, L = 4096, 50

def setup_inputs(seed: int = 0) -> dict:
    key = jax.random.key(seed)
    k1, k2, k3, k4 = jax.random.split(key, 4)
    initial_position_indexes = jax.random.randint(k1, (B, L), 0, VOCAB, dtype=jnp.int64 if jax.config.jax_enable_x64 else jnp.int32)
    destination_indexes = jax.random.randint(k2, (B, L), 0, VOCAB, dtype=jnp.int64 if jax.config.jax_enable_x64 else jnp.int32)
    initial_position_table = jax.random.normal(k3, (VOCAB, EMBED_DIM), dtype=jnp.float32)
    destination_table = jax.random.normal(k4, (VOCAB, EMBED_DIM), dtype=jnp.float32)
    return {
        "initial_position_indexes": initial_position_indexes,
        "destination_indexes": destination_indexes,
        "initial_position_table": initial_position_table,
        "destination_table": destination_table,
    }

def reference(initial_position_indexes, destination_indexes, initial_position_table, destination_table):
    # nn.Embedding lookup == row gather from table
    init_emb = jnp.take(initial_position_table, initial_position_indexes, axis=0)
    dest_emb = jnp.take(destination_table, destination_indexes, axis=0)
    return init_emb + dest_emb

if __name__ == "__main__":
    import jax
    _d = setup_inputs()
    print(jax.jit(kernel)(*tuple(_d.values())))

</pallas_src>

<mosaic_0001>
#map = affine_map<(d0, d1) -> (0)>
#map1 = affine_map<(d0, d1) -> (0, 0)>
module attributes {stable_mosaic.version = 14 : i64} {
  func.func @sc_kernel(%arg0: i32, %arg1: i32, %arg2: memref<229376xi32, #tpu.memory_space<hbm>>, %arg3: memref<4680x128xf32, #tpu.memory_space<hbm>>, %arg4: memref<204800x128xf32, #tpu.memory_space<hbm>>, %arg5: memref<6400xi32, #tpu.memory_space<vmem>>, %arg6: memref<4x160x128xf32, #tpu.memory_space<vmem>>, %arg7: memref<4680x128xf32, #tpu.memory_space<vmem_shared>>, %arg8: memref<!tpu.dma_semaphore, #tpu.memory_space<semaphore_mem>>, %arg9: memref<!tpu.dma_semaphore, #tpu.memory_space<semaphore_mem>>, %arg10: memref<!tpu.dma_semaphore, #tpu.memory_space<semaphore_mem>>, %arg11: memref<!tpu.dma_semaphore, #tpu.memory_space<semaphore_mem>>, %arg12: memref<!tpu.dma_semaphore, #tpu.memory_space<semaphore_mem>>, %arg13: memref<!tpu.dma_semaphore, #tpu.memory_space<semaphore_mem>>, %arg14: memref<!tpu.dma_semaphore, #tpu.memory_space<semaphore_mem>>, %arg15: memref<!tpu.dma_semaphore, #tpu.memory_space<semaphore_mem>>) attributes {dimension_semantics = [#tpu.dimension_semantics<core_parallel>, #tpu.dimension_semantics<subcore_parallel>], iteration_bounds = array<i64: 2, 16>, scalar_prefetch = 0 : i64, scratch_operands = 11 : i64, tpu.core_type = #tpu.core_type<sc_vector_subcore>, window_params = [{transform_indices = #map}, {transform_indices = #map1}, {transform_indices = #map1}]} {
    %mul3A = arith.constant 2 : i32
    %mul3A_0 = arith.muli %arg1, %mul3A : i32
    %add3A = arith.addi %mul3A_0, %arg0 : i32
    %mul3A_1 = arith.constant 6400 : i32
    %mul3A_2 = arith.muli %add3A, %mul3A_1 : i32
    %lt3A = arith.constant 15 : i32
    %lt3A_3 = arith.cmpi slt, %arg1, %lt3A : i32
    %convert_element_type3A = arith.extui %lt3A_3 : i1 to i32
    %cond3A = arith.constant 0 : i32
    %cond3A_4 = arith.cmpi ne, %convert_element_type3A, %cond3A : i32
    scf.if %cond3A_4 {
      %mul3A_113 = arith.constant 296 : i32
      %mul3A_114 = arith.muli %arg1, %mul3A_113 : i32
      %mul3A_115 = arith.constant 296 : i32
      %mul3A_116 = arith.muli %arg1, %mul3A_115 : i32
      "tpu.region"() ({
        %run_scoped3A = tpu.sem_alloc : memref<!tpu.dma_semaphore, #tpu.memory_space<semaphore_mem>>
        %dma_start3A_117 = arith.constant 0 : i32
        %dma_start3A_118 = tpu.memref_slice %arg7[%mul3A_116, %dma_start3A_117] : memref<4680x128xf32, #tpu.memory_space<vmem_shared>> -> memref<296x128xf32, #tpu.memory_space<vmem_shared>>
        %dma_start3A_119 = arith.constant 0 : i32
        %dma_start3A_120 = tpu.memref_slice %arg3[%mul3A_114, %dma_start3A_119] : memref<4680x128xf32, #tpu.memory_space<hbm>> -> memref<296x128xf32, #tpu.memory_space<hbm>>
        tpu.enqueue_dma source(%dma_start3A_120 : memref<296x128xf32, #tpu.memory_space<hbm>>) target(%dma_start3A_118 : memref<296x128xf32, #tpu.memory_space<vmem_shared>>) target_semaphore(%run_scoped3A : memref<!tpu.dma_semaphore, #tpu.memory_space<semaphore_mem>>)
        %dma_wait3A_121 = arith.constant 0 : i32
        %dma_wait3A_122 = tpu.memref_slice %arg7[%mul3A_116, %dma_wait3A_121] : memref<4680x128xf32, #tpu.memory_space<vmem_shared>> -> memref<296x128xf32, #tpu.memory_space<vmem_shared>>
        %dma_wait3A_123 = arith.constant 0 : i32
        %dma_wait3A_124 = tpu.memref_slice %arg3[%mul3A_114, %dma_wait3A_123] : memref<4680x128xf32, #tpu.memory_space<hbm>> -> memref<296x128xf32, #tpu.memory_space<hbm>>
        tpu.wait_dma2 semaphore(%run_scoped3A : memref<!tpu.dma_semaphore, #tpu.memory_space<semaphore_mem>>) src(%dma_wait3A_124 : memref<296x128xf32, #tpu.memory_space<hbm>>) dst(%dma_wait3A_122 : memref<296x128xf32, #tpu.memory_space<vmem_shared>>)
        tpu.yield
      }) : () -> ()
    } else {
    }
    %eq3A = arith.constant 15 : i32
    %eq3A_5 = arith.cmpi eq, %arg1, %eq3A : i32
    %convert_element_type3A_6 = arith.extui %eq3A_5 : i1 to i32
    %cond3A_7 = arith.constant 0 : i32
    %cond3A_8 = arith.cmpi ne, %convert_element_type3A_6, %cond3A_7 : i32
    scf.if %cond3A_8 {
      "tpu.region"() ({
        %run_scoped3A = tpu.sem_alloc : memref<!tpu.dma_semaphore, #tpu.memory_space<semaphore_mem>>
        %dma_start3A_113 = arith.constant 4440 : i32
        %dma_start3A_114 = arith.constant 0 : i32
        %dma_start3A_115 = tpu.memref_slice %arg7[%dma_start3A_113, %dma_start3A_114] : memref<4680x128xf32, #tpu.memory_space<vmem_shared>> -> memref<240x128xf32, #tpu.memory_space<vmem_shared>>
        %dma_start3A_116 = arith.constant 4440 : i32
        %dma_start3A_117 = arith.constant 0 : i32
        %dma_start3A_118 = tpu.memref_slice %arg3[%dma_start3A_116, %dma_start3A_117] : memref<4680x128xf32, #tpu.memory_space<hbm>> -> memref<240x128xf32, #tpu.memory_space<hbm>>
        tpu.enqueue_dma source(%dma_start3A_118 : memref<240x128xf32, #tpu.memory_space<hbm>>) target(%dma_start3A_115 : memref<240x128xf32, #tpu.memory_space<vmem_shared>>) target_semaphore(%run_scoped3A : memref<!tpu.dma_semaphore, #tpu.memory_space<semaphore_mem>>)
        %dma_wait3A_119 = arith.constant 4440 : i32
        %dma_wait3A_120 = arith.constant 0 : i32
        %dma_wait3A_121 = tpu.memref_slice %arg7[%dma_wait3A_119, %dma_wait3A_120] : memref<4680x128xf32, #tpu.memory_space<vmem_shared>> -> memref<240x128xf32, #tpu.memory_space<vmem_shared>>
        %dma_wait3A_122 = arith.constant 4440 : i32
        %dma_wait3A_123 = arith.constant 0 : i32
        %dma_wait3A_124 = tpu.memref_slice %arg3[%dma_wait3A_122, %dma_wait3A_123] : memref<4680x128xf32, #tpu.memory_space<hbm>> -> memref<240x128xf32, #tpu.memory_space<hbm>>
        tpu.wait_dma2 semaphore(%run_scoped3A : memref<!tpu.dma_semaphore, #tpu.memory_space<semaphore_mem>>) src(%dma_wait3A_124 : memref<240x128xf32, #tpu.memory_space<hbm>>) dst(%dma_wait3A_121 : memref<240x128xf32, #tpu.memory_space<vmem_shared>>)
        tpu.yield
      }) : () -> ()
    } else {
    }
    "tpu.region"() ({
      %run_scoped3A = tpu.sem_alloc : memref<!tpu.dma_semaphore, #tpu.memory_space<semaphore_mem>>
      %dma_start3A_113 = tpu.memref_slice %arg2[%mul3A_2] : memref<229376xi32, #tpu.memory_space<hbm>> -> memref<6400xi32, #tpu.memory_space<hbm>>
      %dma_start3A_114 = tpu.memref_slice %arg2[%mul3A_2] : memref<229376xi32, #tpu.memory_space<hbm>> -> memref<6400xi32, #tpu.memory_space<hbm>>
      tpu.enqueue_dma source(%dma_start3A_114 : memref<6400xi32, #tpu.memory_space<hbm>>) target(%arg5 : memref<6400xi32, #tpu.memory_space<vmem>>) target_semaphore(%run_scoped3A : memref<!tpu.dma_semaphore, #tpu.memory_space<semaphore_mem>>)
      %dma_wait3A_115 = tpu.memref_slice %arg2[%mul3A_2] : memref<229376xi32, #tpu.memory_space<hbm>> -> memref<6400xi32, #tpu.memory_space<hbm>>
      %dma_wait3A_116 = tpu.memref_slice %arg2[%mul3A_2] : memref<229376xi32, #tpu.memory_space<hbm>> -> memref<6400xi32, #tpu.memory_space<hbm>>
      tpu.wait_dma2 semaphore(%run_scoped3A : memref<!tpu.dma_semaphore, #tpu.memory_space<semaphore_mem>>) src(%dma_wait3A_116 : memref<6400xi32, #tpu.memory_space<hbm>>) dst(%arg5 : memref<6400xi32, #tpu.memory_space<vmem>>)
      tpu.yield
    }) : () -> ()
    %barrier3A = arith.constant 0 : index
    tpu.barrier barrier_id(%barrier3A)
    %dma_start3A = arith.constant 0 : i32
    %dma_start3A_9 = arith.constant 0 : i32
    %dma_start3A_10 = arith.constant 0 : i32
    %dma_start3A_11 = tpu.memref_slice %arg6[%dma_start3A, %dma_start3A_9, %dma_start3A_10] : memref<4x160x128xf32, #tpu.memory_space<vmem>> -> memref<1x160x128xf32, #tpu.memory_space<vmem>>
    %dma_start3A_12 = tpu.memref_squeeze %dma_start3A_11 : memref<1x160x128xf32, #tpu.memory_space<vmem>> -> memref<160x128xf32, #tpu.memory_space<vmem>>
    %dma_start3A_13 = arith.constant 0 : i32
    %dma_start3A_14 = tpu.memref_slice %arg5[%dma_start3A_13] : memref<6400xi32, #tpu.memory_space<vmem>> -> memref<160xi32, #tpu.memory_space<vmem>>
    %dma_start3A_15 = arith.constant 0 : i32
    %dma_start3A_16 = arith.constant 0 : i32
    %dma_start3A_17 = tpu.memref_slice %arg7[%dma_start3A_15, %dma_start3A_16] : memref<4680x128xf32, #tpu.memory_space<vmem_shared>> -> memref<4680x128xf32, #tpu.memory_space<vmem_shared>>
    tpu.enqueue_indirect_dma source(%dma_start3A_17 : memref<4680x128xf32, #tpu.memory_space<vmem_shared>>) target(%dma_start3A_12 : memref<160x128xf32, #tpu.memory_space<vmem>>) offsets(%dma_start3A_14 : memref<160xi32, #tpu.memory_space<vmem>>) semaphore(%arg8 : memref<!tpu.dma_semaphore, #tpu.memory_space<semaphore_mem>>)
    %dma_start3A_18 = arith.constant 1 : i32
    %dma_start3A_19 = arith.constant 0 : i32
    %dma_start3A_20 = arith.constant 0 : i32
    %dma_start3A_21 = tpu.memref_slice %arg6[%dma_start3A_18, %dma_start3A_19, %dma_start3A_20] : memref<4x160x128xf32, #tpu.memory_space<vmem>> -> memref<1x160x128xf32, #tpu.memory_space<vmem>>
    %dma_start3A_22 = tpu.memref_squeeze %dma_start3A_21 : memref<1x160x128xf32, #tpu.memory_space<vmem>> -> memref<160x128xf32, #tpu.memory_space<vmem>>
    %dma_start3A_23 = arith.constant 160 : i32
    %dma_start3A_24 = tpu.memref_slice %arg5[%dma_start3A_23] : memref<6400xi32, #tpu.memory_space<vmem>> -> memref<160xi32, #tpu.memory_space<vmem>>
    %dma_start3A_25 = arith.constant 0 : i32
    %dma_start3A_26 = arith.constant 0 : i32
    %dma_start3A_27 = tpu.memref_slice %arg7[%dma_start3A_25, %dma_start3A_26] : memref<4680x128xf32, #tpu.memory_space<vmem_shared>> -> memref<4680x128xf32, #tpu.memory_space<vmem_shared>>
    tpu.enqueue_indirect_dma source(%dma_start3A_27 : memref<4680x128xf32, #tpu.memory_space<vmem_shared>>) target(%dma_start3A_22 : memref<160x128xf32, #tpu.memory_space<vmem>>) offsets(%dma_start3A_24 : memref<160xi32, #tpu.memory_space<vmem>>) semaphore(%arg9 : memref<!tpu.dma_semaphore, #tpu.memory_space<semaphore_mem>>)
    %dma_start3A_28 = arith.constant 2 : i32
    %dma_start3A_29 = arith.constant 0 : i32
    %dma_start3A_30 = arith.constant 0 : i32
    %dma_start3A_31 = tpu.memref_slice %arg6[%dma_start3A_28, %dma_start3A_29, %dma_start3A_30] : memref<4x160x128xf32, #tpu.memory_space<vmem>> -> memref<1x160x128xf32, #tpu.memory_space<vmem>>
    %dma_start3A_32 = tpu.memref_squeeze %dma_start3A_31 : memref<1x160x128xf32, #tpu.memory_space<vmem>> -> memref<160x128xf32, #tpu.memory_space<vmem>>
    %dma_start3A_33 = arith.constant 320 : i32
    %dma_start3A_34 = tpu.memref_slice %arg5[%dma_start3A_33] : memref<6400xi32, #tpu.memory_space<vmem>> -> memref<160xi32, #tpu.memory_space<vmem>>
    %dma_start3A_35 = arith.constant 0 : i32
    %dma_start3A_36 = arith.constant 0 : i32
    %dma_start3A_37 = tpu.memref_slice %arg7[%dma_start3A_35, %dma_start3A_36] : memref<4680x128xf32, #tpu.memory_space<vmem_shared>> -> memref<4680x128xf32, #tpu.memory_space<vmem_shared>>
    tpu.enqueue_indirect_dma source(%dma_start3A_37 : memref<4680x128xf32, #tpu.memory_space<vmem_shared>>) target(%dma_start3A_32 : memref<160x128xf32, #tpu.memory_space<vmem>>) offsets(%dma_start3A_34 : memref<160xi32, #tpu.memory_space<vmem>>) semaphore(%arg10 : memref<!tpu.dma_semaphore, #tpu.memory_space<semaphore_mem>>)
    %dma_start3A_38 = arith.constant 3 : i32
    %dma_start3A_39 = arith.constant 0 : i32
    %dma_start3A_40 = arith.constant 0 : i32
    %dma_start3A_41 = tpu.memref_slice %arg6[%dma_start3A_38, %dma_start3A_39, %dma_start3A_40] : memref<4x160x128xf32, #tpu.memory_space<vmem>> -> memref<1x160x128xf32, #tpu.memory_space<vmem>>
    %dma_start3A_42 = tpu.memref_squeeze %dma_start3A_41 : memref<1x160x128xf32, #tpu.memory_space<vmem>> -> memref<160x128xf32, #tpu.memory_space<vmem>>
    %dma_start3A_43 = arith.constant 480 : i32
    %dma_start3A_44 = tpu.memref_slice %arg5[%dma_start3A_43] : memref<6400xi32, #tpu.memory_space<vmem>> -> memref<160xi32, #tpu.memory_space<vmem>>
    %dma_start3A_45 = arith.constant 0 : i32
    %dma_start3A_46 = arith.constant 0 : i32
    %dma_start3A_47 = tpu.memref_slice %arg7[%dma_start3A_45, %dma_start3A_46] : memref<4680x128xf32, #tpu.memory_space<vmem_shared>> -> memref<4680x128xf32, #tpu.memory_space<vmem_shared>>
    tpu.enqueue_indirect_dma source(%dma_start3A_47 : memref<4680x128xf32, #tpu.memory_space<vmem_shared>>) target(%dma_start3A_42 : memref<160x128xf32, #tpu.memory_space<vmem>>) offsets(%dma_start3A_44 : memref<160xi32, #tpu.memory_space<vmem>>) semaphore(%arg11 : memref<!tpu.dma_semaphore, #tpu.memory_space<semaphore_mem>>)
    %scan3A = arith.constant 0 : i32
    %scan3A_48 = arith.constant 0 : i32
    %scan3A_49 = arith.constant 10 : i32
    %scan3A_50 = arith.addi %scan3A_48, %scan3A_49 : i32
    %scan3A_51 = arith.constant 1 : i32
    %scan3A_52 = scf.for %scan3A_113 = %scan3A_48 to %scan3A_50 step %scan3A_51 iter_args(%scan3A_114 = %scan3A) -> (i32)  : i32 {
      %mul3A_115 = arith.constant 4 : i32
      %mul3A_116 = arith.muli %scan3A_113, %mul3A_115 : i32
      %add3A_117 = arith.constant 0 : i32
      %add3A_118 = arith.addi %mul3A_116, %add3A_117 : i32
      %dma_wait3A_119 = arith.constant 0 : i32
      %dma_wait3A_120 = arith.constant 0 : i32
      %dma_wait3A_121 = arith.constant 0 : i32
      %dma_wait3A_122 = tpu.memref_slice %arg6[%dma_wait3A_119, %dma_wait3A_120, %dma_wait3A_121] : memref<4x160x128xf32, #tpu.memory_space<vmem>> -> memref<1x160x128xf32, #tpu.memory_space<vmem>>
      %dma_wait3A_123 = tpu.memref_squeeze %dma_wait3A_122 : memref<1x160x128xf32, #tpu.memory_space<vmem>> -> memref<160x128xf32, #tpu.memory_space<vmem>>
      %dma_wait3A_124 = arith.constant 0 : i32
      %dma_wait3A_125 = arith.constant 0 : i32
      %dma_wait3A_126 = tpu.memref_slice %arg3[%dma_wait3A_124, %dma_wait3A_125] : memref<4680x128xf32, #tpu.memory_space<hbm>> -> memref<160x128xf32, #tpu.memory_space<hbm>>
      %dma_wait3A_127 = arith.constant 0 : i32
      %dma_wait3A_128 = arith.constant 0 : i32
      %dma_wait3A_129 = tpu.memref_slice %arg6[%dma_wait3A_119, %dma_wait3A_127, %dma_wait3A_128] : memref<4x160x128xf32, #tpu.memory_space<vmem>> -> memref<1x160x128xf32, #tpu.memory_space<vmem>>
      %dma_wait3A_130 = tpu.memref_squeeze %dma_wait3A_129 : memref<1x160x128xf32, #tpu.memory_space<vmem>> -> memref<160x128xf32, #tpu.memory_space<vmem>>
      %dma_wait3A_131 = arith.constant 0 : i32
      %dma_wait3A_132 = arith.constant 0 : i32
      %dma_wait3A_133 = tpu.memref_slice %arg3[%dma_wait3A_131, %dma_wait3A_132] : memref<4680x128xf32, #tpu.memory_space<hbm>> -> memref<160x128xf32, #tpu.memory_space<hbm>>
      tpu.wait_dma2 semaphore(%arg8 : memref<!tpu.dma_semaphore, #tpu.memory_space<semaphore_mem>>) src(%dma_wait3A_133 : memref<160x128xf32, #tpu.memory_space<hbm>>) dst(%dma_wait3A_130 : memref<160x128xf32, #tpu.memory_space<vmem>>)
      %mul3A_134 = arith.constant 160 : i32
      %mul3A_135 = arith.muli %add3A_118, %mul3A_134 : i32
      %add3A_136 = arith.addi %mul3A_2, %mul3A_135 : i32
      %dma_start3A_137 = arith.constant 0 : i32
      %dma_start3A_138 = arith.constant 0 : i32
      %dma_start3A_139 = arith.constant 0 : i32
      %dma_start3A_140 = tpu.memref_slice %arg6[%dma_start3A_137, %dma_start3A_138, %dma_start3A_139] : memref<4x160x128xf32, #tpu.memory_space<vmem>> -> memref<1x160x128xf32, #tpu.memory_space<vmem>>
      %dma_start3A_141 = tpu.memref_squeeze %dma_start3A_140 : memref<1x160x128xf32, #tpu.memory_space<vmem>> -> memref<160x128xf32, #tpu.memory_space<vmem>>
      %dma_start3A_142 = arith.constant 0 : i32
      %dma_start3A_143 = tpu.memref_slice %arg4[%add3A_136, %dma_start3A_142] : memref<204800x128xf32, #tpu.memory_space<hbm>> -> memref<160x128xf32, #tpu.memory_space<hbm>>
      %dma_start3A_144 = arith.constant 0 : i32
      %dma_start3A_145 = tpu.memref_slice %arg4[%add3A_136, %dma_start3A_144] : memref<204800x128xf32, #tpu.memory_space<hbm>> -> memref<160x128xf32, #tpu.memory_space<hbm>>
      %dma_start3A_146 = arith.constant 0 : i32
      %dma_start3A_147 = arith.constant 0 : i32
      %dma_start3A_148 = tpu.memref_slice %arg6[%dma_start3A_137, %dma_start3A_146, %dma_start3A_147] : memref<4x160x128xf32, #tpu.memory_space<vmem>> -> memref<1x160x128xf32, #tpu.memory_space<vmem>>
      %dma_start3A_149 = tpu.memref_squeeze %dma_start3A_148 : memref<1x160x128xf32, #tpu.memory_space<vmem>> -> memref<160x128xf32, #tpu.memory_space<vmem>>
      tpu.enqueue_dma source(%dma_start3A_149 : memref<160x128xf32, #tpu.memory_space<vmem>>) target(%dma_start3A_145 : memref<160x128xf32, #tpu.memory_space<hbm>>) target_semaphore(%arg12 : memref<!tpu.dma_semaphore, #tpu.memory_space<semaphore_mem>>)
      %add3A_150 = arith.constant 4 : i32
      %add3A_151 = arith.addi %add3A_118, %add3A_150 : i32
      %lt3A_152 = arith.constant 40 : i32
      %lt3A_153 = arith.cmpi slt, %add3A_151, %lt3A_152 : i32
      %convert_element_type3A_154 = arith.extui %lt3A_153 : i1 to i32
      %cond3A_155 = arith.constant 0 : i32
      %cond3A_156 = arith.cmpi ne, %convert_element_type3A_154, %cond3A_155 : i32
      scf.if %cond3A_156 {
        %dma_wait3A_278 = arith.constant 0 : i32
        %dma_wait3A_279 = arith.constant 0 : i32
        %dma_wait3A_280 = arith.constant 0 : i32
        %dma_wait3A_281 = tpu.memref_slice %arg6[%dma_wait3A_278, %dma_wait3A_279, %dma_wait3A_280] : memref<4x160x128xf32, #tpu.memory_space<vmem>> -> memref<1x160x128xf32, #tpu.memory_space<vmem>>
        %dma_wait3A_282 = tpu.memref_squeeze %dma_wait3A_281 : memref<1x160x128xf32, #tpu.memory_space<vmem>> -> memref<160x128xf32, #tpu.memory_space<vmem>>
        %dma_wait3A_283 = arith.constant 0 : i32
        %dma_wait3A_284 = arith.constant 0 : i32
        %dma_wait3A_285 = tpu.memref_slice %arg4[%dma_wait3A_283, %dma_wait3A_284] : memref<204800x128xf32, #tpu.memory_space<hbm>> -> memref<160x128xf32, #tpu.memory_space<hbm>>
        %dma_wait3A_286 = arith.constant 0 : i32
        %dma_wait3A_287 = arith.constant 0 : i32
        %dma_wait3A_288 = tpu.memref_slice %arg4[%dma_wait3A_286, %dma_wait3A_287] : memref<204800x128xf32, #tpu.memory_space<hbm>> -> memref<160x128xf32, #tpu.memory_space<hbm>>
        %dma_wait3A_289 = arith.constant 0 : i32
        %dma_wait3A_290 = arith.constant 0 : i32
        %dma_wait3A_291 = tpu.memref_slice %arg6[%dma_wait3A_278, %dma_wait3A_289, %dma_wait3A_290] : memref<4x160x128xf32, #tpu.memory_space<vmem>> -> memref<1x160x128xf32, #tpu.memory_space<vmem>>
        %dma_wait3A_292 = tpu.memref_squeeze %dma_wait3A_291 : memref<1x160x128xf32, #tpu.memory_space<vmem>> -> memref<160x128xf32, #tpu.memory_space<vmem>>
        tpu.wait_dma2 semaphore(%arg12 : memref<!tpu.dma_semaphore, #tpu.memory_space<semaphore_mem>>) src(%dma_wait3A_292 : memref<160x128xf32, #tpu.memory_space<vmem>>) dst(%dma_wait3A_288 : memref<160x128xf32, #tpu.memory_space<hbm>>)
        %mul3A_293 = arith.constant 160 : i32
        %mul3A_294 = arith.muli %add3A_151, %mul3A_293 : i32
        %dma_start3A_295 = arith.constant 0 : i32
        %dma_start3A_296 = arith.constant 0 : i32
        %dma_start3A_297 = arith.constant 0 : i32
        %dma_start3A_298 = tpu.memref_slice %arg6[%dma_start3A_295, %dma_start3A_296, %dma_start3A_297] : memref<4x160x128xf32, #tpu.memory_space<vmem>> -> memref<1x160x128xf32, #tpu.memory_space<vmem>>
        %dma_start3A_299 = tpu.memref_squeeze %dma_start3A_298 : memref<1x160x128xf32, #tpu.memory_space<vmem>> -> memref<160x128xf32, #tpu.memory_space<vmem>>
        %dma_start3A_300 = tpu.memref_slice %arg5[%mul3A_294] : memref<6400xi32, #tpu.memory_space<vmem>> -> memref<160xi32, #tpu.memory_space<vmem>>
        %dma_start3A_301 = arith.constant 0 : i32
        %dma_start3A_302 = arith.constant 0 : i32
        %dma_start3A_303 = tpu.memref_slice %arg7[%dma_start3A_301, %dma_start3A_302] : memref<4680x128xf32, #tpu.memory_space<vmem_shared>> -> memref<4680x128xf32, #tpu.memory_space<vmem_shared>>
        tpu.enqueue_indirect_dma source(%dma_start3A_303 : memref<4680x128xf32, #tpu.memory_space<vmem_shared>>) target(%dma_start3A_299 : memref<160x128xf32, #tpu.memory_space<vmem>>) offsets(%dma_start3A_300 : memref<160xi32, #tpu.memory_space<vmem>>) semaphore(%arg8 : memref<!tpu.dma_semaphore, #tpu.memory_space<semaphore_mem>>)
      } else {
      }
      %add3A_157 = arith.constant 1 : i32
      %add3A_158 = arith.addi %mul3A_116, %add3A_157 : i32
      %dma_wait3A_159 = arith.constant 1 : i32
      %dma_wait3A_160 = arith.constant 0 : i32
      %dma_wait3A_161 = arith.constant 0 : i32
      %dma_wait3A_162 = tpu.memref_slice %arg6[%dma_wait3A_159, %dma_wait3A_160, %dma_wait3A_161] : memref<4x160x128xf32, #tpu.memory_space<vmem>> -> memref<1x160x128xf32, #tpu.memory_space<vmem>>
      %dma_wait3A_163 = tpu.memref_squeeze %dma_wait3A_162 : memref<1x160x128xf32, #tpu.memory_space<vmem>> -> memref<160x128xf32, #tpu.memory_space<vmem>>
      %dma_wait3A_164 = arith.constant 0 : i32
      %dma_wait3A_165 = arith.constant 0 : i32
      %dma_wait3A_166 = tpu.memref_slice %arg3[%dma_wait3A_164, %dma_wait3A_165] : memref<4680x128xf32, #tpu.memory_space<hbm>> -> memref<160x128xf32, #tpu.memory_space<hbm>>
      %dma_wait3A_167 = arith.constant 0 : i32
      %dma_wait3A_168 = arith.constant 0 : i32
      %dma_wait3A_169 = tpu.memref_slice %arg6[%dma_wait3A_159, %dma_wait3A_167, %dma_wait3A_168] : memref<4x160x128xf32, #tpu.memory_space<vmem>> -> memref<1x160x128xf32, #tpu.memory_space<vmem>>
      %dma_wait3A_170 = tpu.memref_squeeze %dma_wait3A_169 : memref<1x160x128xf32, #tpu.memory_space<vmem>> -> memref<160x128xf32, #tpu.memory_space<vmem>>
      %dma_wait3A_171 = arith.constant 0 : i32
      %dma_wait3A_172 = arith.constant 0 : i32
      %dma_wait3A_173 = tpu.memref_slice %arg3[%dma_wait3A_171, %dma_wait3A_172] : memref<4680x128xf32, #tpu.memory_space<hbm>> -> memref<160x128xf32, #tpu.memory_space<hbm>>
      tpu.wait_dma2 semaphore(%arg9 : memref<!tpu.dma_semaphore, #tpu.memory_space<semaphore_mem>>) src(%dma_wait3A_173 : memref<160x128xf32, #tpu.memory_space<hbm>>) dst(%dma_wait3A_170 : memref<160x128xf32, #tpu.memory_space<vmem>>)
      %mul3A_174 = arith.constant 160 : i32
      %mul3A_175 = arith.muli %add3A_158, %mul3A_174 : i32
      %add3A_176 = arith.addi %mul3A_2, %mul3A_175 : i32
      %dma_start3A_177 = arith.constant 1 : i32
      %dma_start3A_178 = arith.constant 0 : i32
      %dma_start3A_179 = arith.constant 0 : i32
      %dma_start3A_180 = tpu.memref_slice %arg6[%dma_start3A_177, %dma_start3A_178, %dma_start3A_179] : memref<4x160x128xf32, #tpu.memory_space<vmem>> -> memref<1x160x128xf32, #tpu.memory_space<vmem>>
      %dma_start3A_181 = tpu.memref_squeeze %dma_start3A_180 : memref<1x160x128xf32, #tpu.memory_space<vmem>> -> memref<160x128xf32, #tpu.memory_space<vmem>>
      %dma_start3A_182 = arith.constant 0 : i32
      %dma_start3A_183 = tpu.memref_slice %arg4[%add3A_176, %dma_start3A_182] : memref<204800x128xf32, #tpu.memory_space<hbm>> -> memref<160x128xf32, #tpu.memory_space<hbm>>
      %dma_start3A_184 = arith.constant 0 : i32
      %dma_start3A_185 = tpu.memref_slice %arg4[%add3A_176, %dma_start3A_184] : memref<204800x128xf32, #tpu.memory_space<hbm>> -> memref<160x128xf32, #tpu.memory_space<hbm>>
      %dma_start3A_186 = arith.constant 0 : i32
      %dma_start3A_187 = arith.constant 0 : i32
      %dma_start3A_188 = tpu.memref_slice %arg6[%dma_start3A_177, %dma_start3A_186, %dma_start3A_187] : memref<4x160x128xf32, #tpu.memory_space<vmem>> -> memref<1x160x128xf32, #tpu.memory_space<vmem>>
      %dma_start3A_189 = tpu.memref_squeeze %dma_start3A_188 : memref<1x160x128xf32, #tpu.memory_space<vmem>> -> memref<160x128xf32, #tpu.memory_space<vmem>>
      tpu.enqueue_dma source(%dma_start3A_189 : memref<160x128xf32, #tpu.memory_space<vmem>>) target(%dma_start3A_185 : memref<160x128xf32, #tpu.memory_space<hbm>>) target_semaphore(%arg13 : memref<!tpu.dma_semaphore, #tpu.memory_space<semaphore_mem>>)
      %add3A_190 = arith.constant 4 : i32
      %add3A_191 = arith.addi %add3A_158, %add3A_190 : i32
      %lt3A_192 = arith.constant 40 : i32
      %lt3A_193 = arith.cmpi slt, %add3A_191, %lt3A_192 : i32
      %convert_element_type3A_194 = arith.extui %lt3A_193 : i1 to i32
      %cond3A_195 = arith.constant 0 : i32
      %cond3A_196 = arith.cmpi ne, %convert_element_type3A_194, %cond3A_195 : i32
      scf.if %cond3A_196 {
        %dma_wait3A_278 = arith.constant 1 : i32
        %dma_wait3A_279 = arith.constant 0 : i32
        %dma_wait3A_280 = arith.constant 0 : i32
        %dma_wait3A_281 = tpu.memref_slice %arg6[%dma_wait3A_278, %dma_wait3A_279, %dma_wait3A_280] : memref<4x160x128xf32, #tpu.memory_space<vmem>> -> memref<1x160x128xf32, #tpu.memory_space<vmem>>
        %dma_wait3A_282 = tpu.memref_squeeze %dma_wait3A_281 : memref<1x160x128xf32, #tpu.memory_space<vmem>> -> memref<160x128xf32, #tpu.memory_space<vmem>>
        %dma_wait3A_283 = arith.constant 0 : i32
        %dma_wait3A_284 = arith.constant 0 : i32
        %dma_wait3A_285 = tpu.memref_slice %arg4[%dma_wait3A_283, %dma_wait3A_284] : memref<204800x128xf32, #tpu.memory_space<hbm>> -> memref<160x128xf32, #tpu.memory_space<hbm>>
        %dma_wait3A_286 = arith.constant 0 : i32
        %dma_wait3A_287 = arith.constant 0 : i32
        %dma_wait3A_288 = tpu.memref_slice %arg4[%dma_wait3A_286, %dma_wait3A_287] : memref<204800x128xf32, #tpu.memory_space<hbm>> -> memref<160x128xf32, #tpu.memory_space<hbm>>
        %dma_wait3A_289 = arith.constant 0 : i32
        %dma_wait3A_290 = arith.constant 0 : i32
        %dma_wait3A_291 = tpu.memref_slice %arg6[%dma_wait3A_278, %dma_wait3A_289, %dma_wait3A_290] : memref<4x160x128xf32, #tpu.memory_space<vmem>> -> memref<1x160x128xf32, #tpu.memory_space<vmem>>
        %dma_wait3A_292 = tpu.memref_squeeze %dma_wait3A_291 : memref<1x160x128xf32, #tpu.memory_space<vmem>> -> memref<160x128xf32, #tpu.memory_space<vmem>>
        tpu.wait_dma2 semaphore(%arg13 : memref<!tpu.dma_semaphore, #tpu.memory_space<semaphore_mem>>) src(%dma_wait3A_292 : memref<160x128xf32, #tpu.memory_space<vmem>>) dst(%dma_wait3A_288 : memref<160x128xf32, #tpu.memory_space<hbm>>)
        %mul3A_293 = arith.constant 160 : i32
        %mul3A_294 = arith.muli %add3A_191, %mul3A_293 : i32
        %dma_start3A_295 = arith.constant 1 : i32
        %dma_start3A_296 = arith.constant 0 : i32
        %dma_start3A_297 = arith.constant 0 : i32
        %dma_start3A_298 = tpu.memref_slice %arg6[%dma_start3A_295, %dma_start3A_296, %dma_start3A_297] : memref<4x160x128xf32, #tpu.memory_space<vmem>> -> memref<1x160x128xf32, #tpu.memory_space<vmem>>
        %dma_start3A_299 = tpu.memref_squeeze %dma_start3A_298 : memref<1x160x128xf32, #tpu.memory_space<vmem>> -> memref<160x128xf32, #tpu.memory_space<vmem>>
        %dma_start3A_300 = tpu.memref_slice %arg5[%mul3A_294] : memref<6400xi32, #tpu.memory_space<vmem>> -> memref<160xi32, #tpu.memory_space<vmem>>
        %dma_start3A_301 = arith.constant 0 : i32
        %dma_start3A_302 = arith.constant 0 : i32
        %dma_start3A_303 = tpu.memref_slice %arg7[%dma_start3A_301, %dma_start3A_302] : memref<4680x128xf32, #tpu.memory_space<vmem_shared>> -> memref<4680x128xf32, #tpu.memory_space<vmem_shared>>
        tpu.enqueue_indirect_dma source(%dma_start3A_303 : memref<4680x128xf32, #tpu.memory_space<vmem_shared>>) target(%dma_start3A_299 : memref<160x128xf32, #tpu.memory_space<vmem>>) offsets(%dma_start3A_300 : memref<160xi32, #tpu.memory_space<vmem>>) semaphore(%arg9 : memref<!tpu.dma_semaphore, #tpu.memory_space<semaphore_mem>>)
      } else {
      }
      %add3A_197 = arith.constant 2 : i32
      %add3A_198 = arith.addi %mul3A_116, %add3A_197 : i32
      %dma_wait3A_199 = arith.constant 2 : i32
      %dma_wait3A_200 = arith.constant 0 : i32
      %dma_wait3A_201 = arith.constant 0 : i32
      %dma_wait3A_202 = tpu.memref_slice %arg6[%dma_wait3A_199, %dma_wait3A_200, %dma_wait3A_201] : memref<4x160x128xf32, #tpu.memory_space<vmem>> -> memref<1x160x128xf32, #tpu.memory_space<vmem>>
      %dma_wait3A_203 = tpu.memref_squeeze %dma_wait3A_202 : memref<1x160x128xf32, #tpu.memory_space<vmem>> -> memref<160x128xf32, #tpu.memory_space<vmem>>
      %dma_wait3A_204 = arith.constant 0 : i32
      %dma_wait3A_205 = arith.constant 0 : i32
      %dma_wait3A_206 = tpu.memref_slice %arg3[%dma_wait3A_204, %dma_wait3A_205] : memref<4680x128xf32, #tpu.memory_space<hbm>> -> memref<160x128xf32, #tpu.memory_space<hbm>>
      %dma_wait3A_207 = arith.constant 0 : i32
      %dma_wait3A_208 = arith.constant 0 : i32
      %dma_wait3A_209 = tpu.memref_slice %arg6[%dma_wait3A_199, %dma_wait3A_207, %dma_wait3A_208] : memref<4x160x128xf32, #tpu.memory_space<vmem>> -> memref<1x160x128xf32, #tpu.memory_space<vmem>>
      %dma_wait3A_210 = tpu.memref_squeeze %dma_wait3A_209 : memref<1x160x128xf32, #tpu.memory_space<vmem>> -> memref<160x128xf32, #tpu.memory_space<vmem>>
      %dma_wait3A_211 = arith.constant 0 : i32
      %dma_wait3A_212 = arith.constant 0 : i32
      %dma_wait3A_213 = tpu.memref_slice %arg3[%dma_wait3A_211, %dma_wait3A_212] : memref<4680x128xf32, #tpu.memory_space<hbm>> -> memref<160x128xf32, #tpu.memory_space<hbm>>
      tpu.wait_dma2 semaphore(%arg10 : memref<!tpu.dma_semaphore, #tpu.memory_space<semaphore_mem>>) src(%dma_wait3A_213 : memref<160x128xf32, #tpu.memory_space<hbm>>) dst(%dma_wait3A_210 : memref<160x128xf32, #tpu.memory_space<vmem>>)
      %mul3A_214 = arith.constant 160 : i32
      %mul3A_215 = arith.muli %add3A_198, %mul3A_214 : i32
      %add3A_216 = arith.addi %mul3A_2, %mul3A_215 : i32
      %dma_start3A_217 = arith.constant 2 : i32
      %dma_start3A_218 = arith.constant 0 : i32
      %dma_start3A_219 = arith.constant 0 : i32
      %dma_start3A_220 = tpu.memref_slice %arg6[%dma_start3A_217, %dma_start3A_218, %dma_start3A_219] : memref<4x160x128xf32, #tpu.memory_space<vmem>> -> memref<1x160x128xf32, #tpu.memory_space<vmem>>
      %dma_start3A_221 = tpu.memref_squeeze %dma_start3A_220 : memref<1x160x128xf32, #tpu.memory_space<vmem>> -> memref<160x128xf32, #tpu.memory_space<vmem>>
      %dma_start3A_222 = arith.constant 0 : i32
      %dma_start3A_223 = tpu.memref_slice %arg4[%add3A_216, %dma_start3A_222] : memref<204800x128xf32, #tpu.memory_space<hbm>> -> memref<160x128xf32, #tpu.memory_space<hbm>>
      %dma_start3A_224 = arith.constant 0 : i32
      %dma_start3A_225 = tpu.memref_slice %arg4[%add3A_216, %dma_start3A_224] : memref<204800x128xf32, #tpu.memory_space<hbm>> -> memref<160x128xf32, #tpu.memory_space<hbm>>
      %dma_start3A_226 = arith.constant 0 : i32
      %dma_start3A_227 = arith.constant 0 : i32
      %dma_start3A_228 = tpu.memref_slice %arg6[%dma_start3A_217, %dma_start3A_226, %dma_start3A_227] : memref<4x160x128xf32, #tpu.memory_space<vmem>> -> memref<1x160x128xf32, #tpu.memory_space<vmem>>
      %dma_start3A_229 = tpu.memref_squeeze %dma_start3A_228 : memref<1x160x128xf32, #tpu.memory_space<vmem>> -> memref<160x128xf32, #tpu.memory_space<vmem>>
      tpu.enqueue_dma source(%dma_start3A_229 : memref<160x128xf32, #tpu.memory_space<vmem>>) target(%dma_start3A_225 : memref<160x128xf32, #tpu.memory_space<hbm>>) target_semaphore(%arg14 : memref<!tpu.dma_semaphore, #tpu.memory_space<semaphore_mem>>)
      %add3A_230 = arith.constant 4 : i32
      %add3A_231 = arith.addi %add3A_198, %add3A_230 : i32
      %lt3A_232 = arith.constant 40 : i32
      %lt3A_233 = arith.cmpi slt, %add3A_231, %lt3A_232 : i32
      %convert_element_type3A_234 = arith.extui %lt3A_233 : i1 to i32
      %cond3A_235 = arith.constant 0 : i32
      %cond3A_236 = arith.cmpi ne, %convert_element_type3A_234, %cond3A_235 : i32
      scf.if %cond3A_236 {
        %dma_wait3A_278 = arith.constant 2 : i32
        %dma_wait3A_279 = arith.constant 0 : i32
        %dma_wait3A_280 = arith.constant 0 : i32
        %dma_wait3A_281 = tpu.memref_slice %arg6[%dma_wait3A_278, %dma_wait3A_279, %dma_wait3A_280] : memref<4x160x128xf32, #tpu.memory_space<vmem>> -> memref<1x160x128xf32, #tpu.memory_space<vmem>>
        %dma_wait3A_282 = tpu.memref_squeeze %dma_wait3A_281 : memref<1x160x128xf32, #tpu.memory_space<vmem>> -> memref<160x128xf32, #tpu.memory_space<vmem>>
        %dma_wait3A_283 = arith.constant 0 : i32
        %dma_wait3A_284 = arith.constant 0 : i32
        %dma_wait3A_285 = tpu.memref_slice %arg4[%dma_wait3A_283, %dma_wait3A_284] : memref<204800x128xf32, #tpu.memory_space<hbm>> -> memref<160x128xf32, #tpu.memory_space<hbm>>
        %dma_wait3A_286 = arith.constant 0 : i32
        %dma_wait3A_287 = arith.constant 0 : i32
        %dma_wait3A_288 = tpu.memref_slice %arg4[%dma_wait3A_286, %dma_wait3A_287] : memref<204800x128xf32, #tpu.memory_space<hbm>> -> memref<160x128xf32, #tpu.memory_space<hbm>>
        %dma_wait3A_289 = arith.constant 0 : i32
        %dma_wait3A_290 = arith.constant 0 : i32
        %dma_wait3A_291 = tpu.memref_slice %arg6[%dma_wait3A_278, %dma_wait3A_289, %dma_wait3A_290] : memref<4x160x128xf32, #tpu.memory_space<vmem>> -> memref<1x160x128xf32, #tpu.memory_space<vmem>>
        %dma_wait3A_292 = tpu.memref_squeeze %dma_wait3A_291 : memref<1x160x128xf32, #tpu.memory_space<vmem>> -> memref<160x128xf32, #tpu.memory_space<vmem>>
        tpu.wait_dma2 semaphore(%arg14 : memref<!tpu.dma_semaphore, #tpu.memory_space<semaphore_mem>>) src(%dma_wait3A_292 : memref<160x128xf32, #tpu.memory_space<vmem>>) dst(%dma_wait3A_288 : memref<160x128xf32, #tpu.memory_space<hbm>>)
        %mul3A_293 = arith.constant 160 : i32
        %mul3A_294 = arith.muli %add3A_231, %mul3A_293 : i32
        %dma_start3A_295 = arith.constant 2 : i32
        %dma_start3A_296 = arith.constant 0 : i32
        %dma_start3A_297 = arith.constant 0 : i32
        %dma_start3A_298 = tpu.memref_slice %arg6[%dma_start3A_295, %dma_start3A_296, %dma_start3A_297] : memref<4x160x128xf32, #tpu.memory_space<vmem>> -> memref<1x160x128xf32, #tpu.memory_space<vmem>>
        %dma_start3A_299 = tpu.memref_squeeze %dma_start3A_298 : memref<1x160x128xf32, #tpu.memory_space<vmem>> -> memref<160x128xf32, #tpu.memory_space<vmem>>
        %dma_start3A_300 = tpu.memref_slice %arg5[%mul3A_294] : memref<6400xi32, #tpu.memory_space<vmem>> -> memref<160xi32, #tpu.memory_space<vmem>>
        %dma_start3A_301 = arith.constant 0 : i32
        %dma_start3A_302 = arith.constant 0 : i32
        %dma_start3A_303 = tpu.memref_slice %arg7[%dma_start3A_301, %dma_start3A_302] : memref<4680x128xf32, #tpu.memory_space<vmem_shared>> -> memref<4680x128xf32, #tpu.memory_space<vmem_shared>>
        tpu.enqueue_indirect_dma source(%dma_start3A_303 : memref<4680x128xf32, #tpu.memory_space<vmem_shared>>) target(%dma_start3A_299 : memref<160x128xf32, #tpu.memory_space<vmem>>) offsets(%dma_start3A_300 : memref<160xi32, #tpu.memory_space<vmem>>) semaphore(%arg10 : memref<!tpu.dma_semaphore, #tpu.memory_space<semaphore_mem>>)
      } else {
      }
      %add3A_237 = arith.constant 3 : i32
      %add3A_238 = arith.addi %mul3A_116, %add3A_237 : i32
      %dma_wait3A_239 = arith.constant 3 : i32
      %dma_wait3A_240 = arith.constant 0 : i32
      %dma_wait3A_241 = arith.constant 0 : i32
      %dma_wait3A_242 = tpu.memref_slice %arg6[%dma_wait3A_239, %dma_wait3A_240, %dma_wait3A_241] : memref<4x160x128xf32, #tpu.memory_space<vmem>> -> memref<1x160x128xf32, #tpu.memory_space<vmem>>
      %dma_wait3A_243 = tpu.memref_squeeze %dma_wait3A_242 : memref<1x160x128xf32, #tpu.memory_space<vmem>> -> memref<160x128xf32, #tpu.memory_space<vmem>>
      %dma_wait3A_244 = arith.constant 0 : i32
      %dma_wait3A_245 = arith.constant 0 : i32
      %dma_wait3A_246 = tpu.memref_slice %arg3[%dma_wait3A_244, %dma_wait3A_245] : memref<4680x128xf32, #tpu.memory_space<hbm>> -> memref<160x128xf32, #tpu.memory_space<hbm>>
      %dma_wait3A_247 = arith.constant 0 : i32
      %dma_wait3A_248 = arith.constant 0 : i32
      %dma_wait3A_249 = tpu.memref_slice %arg6[%dma_wait3A_239, %dma_wait3A_247, %dma_wait3A_248] : memref<4x160x128xf32, #tpu.memory_space<vmem>> -> memref<1x160x128xf32, #tpu.memory_space<vmem>>
      %dma_wait3A_250 = tpu.memref_squeeze %dma_wait3A_249 : memref<1x160x128xf32, #tpu.memory_space<vmem>> -> memref<160x128xf32, #tpu.memory_space<vmem>>
      %dma_wait3A_251 = arith.constant 0 : i32
      %dma_wait3A_252 = arith.constant 0 : i32
      %dma_wait3A_253 = tpu.memref_slice %arg3[%dma_wait3A_251, %dma_wait3A_252] : memref<4680x128xf32, #tpu.memory_space<hbm>> -> memref<160x128xf32, #tpu.memory_space<hbm>>
      tpu.wait_dma2 semaphore(%arg11 : memref<!tpu.dma_semaphore, #tpu.memory_space<semaphore_mem>>) src(%dma_wait3A_253 : memref<160x128xf32, #tpu.memory_space<hbm>>) dst(%dma_wait3A_250 : memref<160x128xf32, #tpu.memory_space<vmem>>)
      %mul3A_254 = arith.constant 160 : i32
      %mul3A_255 = arith.muli %add3A_238, %mul3A_254 : i32
      %add3A_256 = arith.addi %mul3A_2, %mul3A_255 : i32
      %dma_start3A_257 = arith.constant 3 : i32
      %dma_start3A_258 = arith.constant 0 : i32
      %dma_start3A_259 = arith.constant 0 : i32
      %dma_start3A_260 = tpu.memref_slice %arg6[%dma_start3A_257, %dma_start3A_258, %dma_start3A_259] : memref<4x160x128xf32, #tpu.memory_space<vmem>> -> memref<1x160x128xf32, #tpu.memory_space<vmem>>
      %dma_start3A_261 = tpu.memref_squeeze %dma_start3A_260 : memref<1x160x128xf32, #tpu.memory_space<vmem>> -> memref<160x128xf32, #tpu.memory_space<vmem>>
      %dma_start3A_262 = arith.constant 0 : i32
      %dma_start3A_263 = tpu.memref_slice %arg4[%add3A_256, %dma_start3A_262] : memref<204800x128xf32, #tpu.memory_space<hbm>> -> memref<160x128xf32, #tpu.memory_space<hbm>>
      %dma_start3A_264 = arith.constant 0 : i32
      %dma_start3A_265 = tpu.memref_slice %arg4[%add3A_256, %dma_start3A_264] : memref<204800x128xf32, #tpu.memory_space<hbm>> -> memref<160x128xf32, #tpu.memory_space<hbm>>
      %dma_start3A_266 = arith.constant 0 : i32
      %dma_start3A_267 = arith.constant 0 : i32
      %dma_start3A_268 = tpu.memref_slice %arg6[%dma_start3A_257, %dma_start3A_266, %dma_start3A_267] : memref<4x160x128xf32, #tpu.memory_space<vmem>> -> memref<1x160x128xf32, #tpu.memory_space<vmem>>
      %dma_start3A_269 = tpu.memref_squeeze %dma_start3A_268 : memref<1x160x128xf32, #tpu.memory_space<vmem>> -> memref<160x128xf32, #tpu.memory_space<vmem>>
      tpu.enqueue_dma source(%dma_start3A_269 : memref<160x128xf32, #tpu.memory_space<vmem>>) target(%dma_start3A_265 : memref<160x128xf32, #tpu.memory_space<hbm>>) target_semaphore(%arg15 : memref<!tpu.dma_semaphore, #tpu.memory_space<semaphore_mem>>)
      %add3A_270 = arith.constant 4 : i32
      %add3A_271 = arith.addi %add3A_238, %add3A_270 : i32
      %lt3A_272 = arith.constant 40 : i32
      %lt3A_273 = arith.cmpi slt, %add3A_271, %lt3A_272 : i32
      %convert_element_type3A_274 = arith.extui %lt3A_273 : i1 to i32
      %cond3A_275 = arith.constant 0 : i32
      %cond3A_276 = arith.cmpi ne, %convert_element_type3A_274, %cond3A_275 : i32
      scf.if %cond3A_276 {
        %dma_wait3A_278 = arith.constant 3 : i32
        %dma_wait3A_279 = arith.constant 0 : i32
        %dma_wait3A_280 = arith.constant 0 : i32
        %dma_wait3A_281 = tpu.memref_slice %arg6[%dma_wait3A_278, %dma_wait3A_279, %dma_wait3A_280] : memref<4x160x128xf32, #tpu.memory_space<vmem>> -> memref<1x160x128xf32, #tpu.memory_space<vmem>>
        %dma_wait3A_282 = tpu.memref_squeeze %dma_wait3A_281 : memref<1x160x128xf32, #tpu.memory_space<vmem>> -> memref<160x128xf32, #tpu.memory_space<vmem>>
        %dma_wait3A_283 = arith.constant 0 : i32
        %dma_wait3A_284 = arith.constant 0 : i32
        %dma_wait3A_285 = tpu.memref_slice %arg4[%dma_wait3A_283, %dma_wait3A_284] : memref<204800x128xf32, #tpu.memory_space<hbm>> -> memref<160x128xf32, #tpu.memory_space<hbm>>
        %dma_wait3A_286 = arith.constant 0 : i32
        %dma_wait3A_287 = arith.constant 0 : i32
        %dma_wait3A_288 = tpu.memref_slice %arg4[%dma_wait3A_286, %dma_wait3A_287] : memref<204800x128xf32, #tpu.memory_space<hbm>> -> memref<160x128xf32, #tpu.memory_space<hbm>>
        %dma_wait3A_289 = arith.constant 0 : i32
        %dma_wait3A_290 = arith.constant 0 : i32
        %dma_wait3A_291 = tpu.memref_slice %arg6[%dma_wait3A_278, %dma_wait3A_289, %dma_wait3A_290] : memref<4x160x128xf32, #tpu.memory_space<vmem>> -> memref<1x160x128xf32, #tpu.memory_space<vmem>>
        %dma_wait3A_292 = tpu.memref_squeeze %dma_wait3A_291 : memref<1x160x128xf32, #tpu.memory_space<vmem>> -> memref<160x128xf32, #tpu.memory_space<vmem>>
        tpu.wait_dma2 semaphore(%arg15 : memref<!tpu.dma_semaphore, #tpu.memory_space<semaphore_mem>>) src(%dma_wait3A_292 : memref<160x128xf32, #tpu.memory_space<vmem>>) dst(%dma_wait3A_288 : memref<160x128xf32, #tpu.memory_space<hbm>>)
        %mul3A_293 = arith.constant 160 : i32
        %mul3A_294 = arith.muli %add3A_271, %mul3A_293 : i32
        %dma_start3A_295 = arith.constant 3 : i32
        %dma_start3A_296 = arith.constant 0 : i32
        %dma_start3A_297 = arith.constant 0 : i32
        %dma_start3A_298 = tpu.memref_slice %arg6[%dma_start3A_295, %dma_start3A_296, %dma_start3A_297] : memref<4x160x128xf32, #tpu.memory_space<vmem>> -> memref<1x160x128xf32, #tpu.memory_space<vmem>>
        %dma_start3A_299 = tpu.memref_squeeze %dma_start3A_298 : memref<1x160x128xf32, #tpu.memory_space<vmem>> -> memref<160x128xf32, #tpu.memory_space<vmem>>
        %dma_start3A_300 = tpu.memref_slice %arg5[%mul3A_294] : memref<6400xi32, #tpu.memory_space<vmem>> -> memref<160xi32, #tpu.memory_space<vmem>>
        %dma_start3A_301 = arith.constant 0 : i32
        %dma_start3A_302 = arith.constant 0 : i32
        %dma_start3A_303 = tpu.memref_slice %arg7[%dma_start3A_301, %dma_start3A_302] : memref<4680x128xf32, #tpu.memory_space<vmem_shared>> -> memref<4680x128xf32, #tpu.memory_space<vmem_shared>>
        tpu.enqueue_indirect_dma source(%dma_start3A_303 : memref<4680x128xf32, #tpu.memory_space<vmem_shared>>) target(%dma_start3A_299 : memref<160x128xf32, #tpu.memory_space<vmem>>) offsets(%dma_start3A_300 : memref<160xi32, #tpu.memory_space<vmem>>) semaphore(%arg11 : memref<!tpu.dma_semaphore, #tpu.memory_space<semaphore_mem>>)
      } else {
      }
      %scan3A_277 = arith.constant 0 : i32
      scf.yield %scan3A_277 : i32
    }
    %scan3A_53 = arith.constant 10 : i32
    %dma_wait3A = arith.constant 0 : i32
    %dma_wait3A_54 = arith.constant 0 : i32
    %dma_wait3A_55 = arith.constant 0 : i32
    %dma_wait3A_56 = tpu.memref_slice %arg6[%dma_wait3A, %dma_wait3A_54, %dma_wait3A_55] : memref<4x160x128xf32, #tpu.memory_space<vmem>> -> memref<1x160x128xf32, #tpu.memory_space<vmem>>
    %dma_wait3A_57 = tpu.memref_squeeze %dma_wait3A_56 : memref<1x160x128xf32, #tpu.memory_space<vmem>> -> memref<160x128xf32, #tpu.memory_space<vmem>>
    %dma_wait3A_58 = arith.constant 0 : i32
    %dma_wait3A_59 = arith.constant 0 : i32
    %dma_wait3A_60 = tpu.memref_slice %arg4[%dma_wait3A_58, %dma_wait3A_59] : memref<204800x128xf32, #tpu.memory_space<hbm>> -> memref<160x128xf32, #tpu.memory_space<hbm>>
    %dma_wait3A_61 = arith.constant 0 : i32
    %dma_wait3A_62 = arith.constant 0 : i32
    %dma_wait3A_63 = tpu.memref_slice %arg4[%dma_wait3A_61, %dma_wait3A_62] : memref<204800x128xf32, #tpu.memory_space<hbm>> -> memref<160x128xf32, #tpu.memory_space<hbm>>
    %dma_wait3A_64 = arith.constant 0 : i32
    %dma_wait3A_65 = arith.constant 0 : i32
    %dma_wait3A_66 = tpu.memref_slice %arg6[%dma_wait3A, %dma_wait3A_64, %dma_wait3A_65] : memref<4x160x128xf32, #tpu.memory_space<vmem>> -> memref<1x160x128xf32, #tpu.memory_space<vmem>>
    %dma_wait3A_67 = tpu.memref_squeeze %dma_wait3A_66 : memref<1x160x128xf32, #tpu.memory_space<vmem>> -> memref<160x128xf32, #tpu.memory_space<vmem>>
    tpu.wait_dma2 semaphore(%arg12 : memref<!tpu.dma_semaphore, #tpu.memory_space<semaphore_mem>>) src(%dma_wait3A_67 : memref<160x128xf32, #tpu.memory_space<vmem>>) dst(%dma_wait3A_63 : memref<160x128xf32, #tpu.memory_space<hbm>>)
    %dma_wait3A_68 = arith.constant 1 : i32
    %dma_wait3A_69 = arith.constant 0 : i32
    %dma_wait3A_70 = arith.constant 0 : i32
    %dma_wait3A_71 = tpu.memref_slice %arg6[%dma_wait3A_68, %dma_wait3A_69, %dma_wait3A_70] : memref<4x160x128xf32, #tpu.memory_space<vmem>> -> memref<1x160x128xf32, #tpu.memory_space<vmem>>
    %dma_wait3A_72 = tpu.memref_squeeze %dma_wait3A_71 : memref<1x160x128xf32, #tpu.memory_space<vmem>> -> memref<160x128xf32, #tpu.memory_space<vmem>>
    %dma_wait3A_73 = arith.constant 0 : i32
    %dma_wait3A_74 = arith.constant 0 : i32
    %dma_wait3A_75 = tpu.memref_slice %arg4[%dma_wait3A_73, %dma_wait3A_74] : memref<204800x128xf32, #tpu.memory_space<hbm>> -> memref<160x128xf32, #tpu.memory_space<hbm>>
    %dma_wait3A_76 = arith.constant 0 : i32
    %dma_wait3A_77 = arith.constant 0 : i32
    %dma_wait3A_78 = tpu.memref_slice %arg4[%dma_wait3A_76, %dma_wait3A_77] : memref<204800x128xf32, #tpu.memory_space<hbm>> -> memref<160x128xf32, #tpu.memory_space<hbm>>
    %dma_wait3A_79 = arith.constant 0 : i32
    %dma_wait3A_80 = arith.constant 0 : i32
    %dma_wait3A_81 = tpu.memref_slice %arg6[%dma_wait3A_68, %dma_wait3A_79, %dma_wait3A_80] : memref<4x160x128xf32, #tpu.memory_space<vmem>> -> memref<1x160x128xf32, #tpu.memory_space<vmem>>
    %dma_wait3A_82 = tpu.memref_squeeze %dma_wait3A_81 : memref<1x160x128xf32, #tpu.memory_space<vmem>> -> memref<160x128xf32, #tpu.memory_space<vmem>>
    tpu.wait_dma2 semaphore(%arg13 : memref<!tpu.dma_semaphore, #tpu.memory_space<semaphore_mem>>) src(%dma_wait3A_82 : memref<160x128xf32, #tpu.memory_space<vmem>>) dst(%dma_wait3A_78 : memref<160x128xf32, #tpu.memory_space<hbm>>)
    %dma_wait3A_83 = arith.constant 2 : i32
    %dma_wait3A_84 = arith.constant 0 : i32
    %dma_wait3A_85 = arith.constant 0 : i32
    %dma_wait3A_86 = tpu.memref_slice %arg6[%dma_wait3A_83, %dma_wait3A_84, %dma_wait3A_85] : memref<4x160x128xf32, #tpu.memory_space<vmem>> -> memref<1x160x128xf32, #tpu.memory_space<vmem>>
    %dma_wait3A_87 = tpu.memref_squeeze %dma_wait3A_86 : memref<1x160x128xf32, #tpu.memory_space<vmem>> -> memref<160x128xf32, #tpu.memory_space<vmem>>
    %dma_wait3A_88 = arith.constant 0 : i32
    %dma_wait3A_89 = arith.constant 0 : i32
    %dma_wait3A_90 = tpu.memref_slice %arg4[%dma_wait3A_88, %dma_wait3A_89] : memref<204800x128xf32, #tpu.memory_space<hbm>> -> memref<160x128xf32, #tpu.memory_space<hbm>>
    %dma_wait3A_91 = arith.constant 0 : i32
    %dma_wait3A_92 = arith.constant 0 : i32
    %dma_wait3A_93 = tpu.memref_slice %arg4[%dma_wait3A_91, %dma_wait3A_92] : memref<204800x128xf32, #tpu.memory_space<hbm>> -> memref<160x128xf32, #tpu.memory_space<hbm>>
    %dma_wait3A_94 = arith.constant 0 : i32
    %dma_wait3A_95 = arith.constant 0 : i32
    %dma_wait3A_96 = tpu.memref_slice %arg6[%dma_wait3A_83, %dma_wait3A_94, %dma_wait3A_95] : memref<4x160x128xf32, #tpu.memory_space<vmem>> -> memref<1x160x128xf32, #tpu.memory_space<vmem>>
    %dma_wait3A_97 = tpu.memref_squeeze %dma_wait3A_96 : memref<1x160x128xf32, #tpu.memory_space<vmem>> -> memref<160x128xf32, #tpu.memory_space<vmem>>
    tpu.wait_dma2 semaphore(%arg14 : memref<!tpu.dma_semaphore, #tpu.memory_space<semaphore_mem>>) src(%dma_wait3A_97 : memref<160x128xf32, #tpu.memory_space<vmem>>) dst(%dma_wait3A_93 : memref<160x128xf32, #tpu.memory_space<hbm>>)
    %dma_wait3A_98 = arith.constant 3 : i32
    %dma_wait3A_99 = arith.constant 0 : i32
    %dma_wait3A_100 = arith.constant 0 : i32
    %dma_wait3A_101 = tpu.memref_slice %arg6[%dma_wait3A_98, %dma_wait3A_99, %dma_wait3A_100] : memref<4x160x128xf32, #tpu.memory_space<vmem>> -> memref<1x160x128xf32, #tpu.memory_space<vmem>>
    %dma_wait3A_102 = tpu.memref_squeeze %dma_wait3A_101 : memref<1x160x128xf32, #tpu.memory_space<vmem>> -> memref<160x128xf32, #tpu.memory_space<vmem>>
    %dma_wait3A_103 = arith.constant 0 : i32
    %dma_wait3A_104 = arith.constant 0 : i32
    %dma_wait3A_105 = tpu.memref_slice %arg4[%dma_wait3A_103, %dma_wait3A_104] : memref<204800x128xf32, #tpu.memory_space<hbm>> -> memref<160x128xf32, #tpu.memory_space<hbm>>
    %dma_wait3A_106 = arith.constant 0 : i32
    %dma_wait3A_107 = arith.constant 0 : i32
    %dma_wait3A_108 = tpu.memref_slice %arg4[%dma_wait3A_106, %dma_wait3A_107] : memref<204800x128xf32, #tpu.memory_space<hbm>> -> memref<160x128xf32, #tpu.memory_space<hbm>>
    %dma_wait3A_109 = arith.constant 0 : i32
    %dma_wait3A_110 = arith.constant 0 : i32
    %dma_wait3A_111 = tpu.memref_slice %arg6[%dma_wait3A_98, %dma_wait3A_109, %dma_wait3A_110] : memref<4x160x128xf32, #tpu.memory_space<vmem>> -> memref<1x160x128xf32, #tpu.memory_space<vmem>>
    %dma_wait3A_112 = tpu.memref_squeeze %dma_wait3A_111 : memref<1x160x128xf32, #tpu.memory_space<vmem>> -> memref<160x128xf32, #tpu.memory_space<vmem>>
    tpu.wait_dma2 semaphore(%arg15 : memref<!tpu.dma_semaphore, #tpu.memory_space<semaphore_mem>>) src(%dma_wait3A_112 : memref<160x128xf32, #tpu.memory_space<vmem>>) dst(%dma_wait3A_108 : memref<160x128xf32, #tpu.memory_space<hbm>>)
    return
  }
}

module attributes {stable_mosaic.version = 14 : i64} {
  func.func @body(%arg0: memref<4096x50xi32, #tpu.memory_space<vmem>>, %arg1: memref<4096x50xi32, #tpu.memory_space<vmem>>, %arg2: memref<65x128xf32, #tpu.memory_space<vmem>>, %arg3: memref<65x128xf32, #tpu.memory_space<vmem>>, %arg4: memref<56x4096xi32, #tpu.memory_space<vmem>>, %arg5: memref<4680x128xf32, #tpu.memory_space<vmem>>) attributes {dimension_semantics = [], scalar_prefetch = 0 : i64, scratch_operands = 0 : i64, tpu.core_type = #tpu.core_type<tc>} {
    %get3A = arith.constant 0 : index
    %get3A_0 = arith.constant 0 : index
    %get3A_1 = vector.load %arg0[%get3A, %get3A_0] : memref<4096x50xi32, #tpu.memory_space<vmem>>, vector<4096x50xi32>
    %mul3A = arith.constant 72 : i32
    %mul3A_2 = vector.broadcast %mul3A : i32 to vector<4096x50xi32>
    %mul3A_3 = arith.muli %get3A_1, %mul3A_2 : vector<4096x50xi32>
    %get3A_4 = arith.constant 0 : index
    %get3A_5 = arith.constant 0 : index
    %get3A_6 = vector.load %arg1[%get3A_4, %get3A_5] : memref<4096x50xi32, #tpu.memory_space<vmem>>, vector<4096x50xi32>
    %add3A = arith.addi %mul3A_3, %get3A_6 : vector<4096x50xi32>
    %transpose3A = tpu.transpose %add3A, [1, 0] : vector<4096x50xi32> -> vector<50x4096xi32>
    %swap3A = arith.constant 0 : index
    %swap3A_7 = arith.constant 0 : index
    %swap3A_8 = vector.load %arg4[%swap3A, %swap3A_7] : memref<56x4096xi32, #tpu.memory_space<vmem>>, vector<50x4096xi32>
    tpu.vector_store %arg4[%swap3A, %swap3A_7], %transpose3A {strides = array<i32>} : memref<56x4096xi32, #tpu.memory_space<vmem>>, vector<50x4096xi32>,
    %get3A_9 = arith.constant 0 : index
    %get3A_10 = arith.constant 0 : index
    %get3A_11 = vector.load %arg3[%get3A_9, %get3A_10] : memref<65x128xf32, #tpu.memory_space<vmem>>, vector<65x128xf32>
    %get3A_12 = arith.constant 0 : index
    %get3A_13 = arith.constant 0 : index
    %get3A_14 = vector.load %arg2[%get3A_12, %get3A_13] : memref<65x128xf32, #tpu.memory_space<vmem>>, vector<1x128xf32>
    %add3A_15 = vector.broadcast %get3A_14 : vector<1x128xf32> to vector<65x128xf32>
    %add3A_16 = arith.addf %add3A_15, %get3A_11 : vector<65x128xf32>
    %swap3A_17 = arith.constant 0 : index
    %swap3A_18 = arith.constant 0 : index
    %swap3A_19 = vector.load %arg5[%swap3A_17, %swap3A_18] : memref<4680x128xf32, #tpu.memory_space<vmem>>, vector<65x128xf32>
    tpu.vector_store %arg5[%swap3A_17, %swap3A_18], %add3A_16 {strides = array<i32>} : memref<4680x128xf32, #tpu.memory_space<vmem>>, vector<65x128xf32>,
    %get3A_20 = arith.constant 1 : index
    %get3A_21 = arith.constant 0 : index
    %get3A_22 = vector.load %arg2[%get3A_20, %get3A_21] : memref<65x128xf32, #tpu.memory_space<vmem>>, vector<1x128xf32>
    %add3A_23 = vector.broadcast %get3A_22 : vector<1x128xf32> to vector<65x128xf32>
    %add3A_24 = arith.addf %add3A_23, %get3A_11 : vector<65x128xf32>
    %swap3A_25 = arith.constant 72 : index
    %swap3A_26 = arith.constant 0 : index
    %swap3A_27 = vector.load %arg5[%swap3A_25, %swap3A_26] : memref<4680x128xf32, #tpu.memory_space<vmem>>, vector<65x128xf32>
    tpu.vector_store %arg5[%swap3A_25, %swap3A_26], %add3A_24 {strides = array<i32>} : memref<4680x128xf32, #tpu.memory_space<vmem>>, vector<65x128xf32>,
    %get3A_28 = arith.constant 2 : index
    %get3A_29 = arith.constant 0 : index
    %get3A_30 = vector.load %arg2[%get3A_28, %get3A_29] : memref<65x128xf32, #tpu.memory_space<vmem>>, vector<1x128xf32>
    %add3A_31 = vector.broadcast %get3A_30 : vector<1x128xf32> to vector<65x128xf32>
    %add3A_32 = arith.addf %add3A_31, %get3A_11 : vector<65x128xf32>
    %swap3A_33 = arith.constant 144 : index
    %swap3A_34 = arith.constant 0 : index
    %swap3A_35 = vector.load %arg5[%swap3A_33, %swap3A_34] : memref<4680x128xf32, #tpu.memory_space<vmem>>, vector<65x128xf32>
    tpu.vector_store %arg5[%swap3A_33, %swap3A_34], %add3A_32 {strides = array<i32>} : memref<4680x128xf32, #tpu.memory_space<vmem>>, vector<65x128xf32>,
    %get3A_36 = arith.constant 3 : index
    %get3A_37 = arith.constant 0 : index
    %get3A_38 = vector.load %arg2[%get3A_36, %get3A_37] : memref<65x128xf32, #tpu.memory_space<vmem>>, vector<1x128xf32>
    %add3A_39 = vector.broadcast %get3A_38 : vector<1x128xf32> to vector<65x128xf32>
    %add3A_40 = arith.addf %add3A_39, %get3A_11 : vector<65x128xf32>
    %swap3A_41 = arith.constant 216 : index
    %swap3A_42 = arith.constant 0 : index
    %swap3A_43 = vector.load %arg5[%swap3A_41, %swap3A_42] : memref<4680x128xf32, #tpu.memory_space<vmem>>, vector<65x128xf32>
    tpu.vector_store %arg5[%swap3A_41, %swap3A_42], %add3A_40 {strides = array<i32>} : memref<4680x128xf32, #tpu.memory_space<vmem>>, vector<65x128xf32>,
    %get3A_44 = arith.constant 4 : index
    %get3A_45 = arith.constant 0 : index
    %get3A_46 = vector.load %arg2[%get3A_44, %get3A_45] : memref<65x128xf32, #tpu.memory_space<vmem>>, vector<1x128xf32>
    %add3A_47 = vector.broadcast %get3A_46 : vector<1x128xf32> to vector<65x128xf32>
    %add3A_48 = arith.addf %add3A_47, %get3A_11 : vector<65x128xf32>
    %swap3A_49 = arith.constant 288 : index
    %swap3A_50 = arith.constant 0 : index
    %swap3A_51 = vector.load %arg5[%swap3A_49, %swap3A_50] : memref<4680x128xf32, #tpu.memory_space<vmem>>, vector<65x128xf32>
    tpu.vector_store %arg5[%swap3A_49, %swap3A_50], %add3A_48 {strides = array<i32>} : memref<4680x128xf32, #tpu.memory_space<vmem>>, vector<65x128xf32>,
    %get3A_52 = arith.constant 5 : index
    %get3A_53 = arith.constant 0 : index
    %get3A_54 = vector.load %arg2[%get3A_52, %get3A_53] : memref<65x128xf32, #tpu.memory_space<vmem>>, vector<1x128xf32>
    %add3A_55 = vector.broadcast %get3A_54 : vector<1x128xf32> to vector<65x128xf32>
    %add3A_56 = arith.addf %add3A_55, %get3A_11 : vector<65x128xf32>
    %swap3A_57 = arith.constant 360 : index
    %swap3A_58 = arith.constant 0 : index
    %swap3A_59 = vector.load %arg5[%swap3A_57, %swap3A_58] : memref<4680x128xf32, #tpu.memory_space<vmem>>, vector<65x128xf32>
    tpu.vector_store %arg5[%swap3A_57, %swap3A_58], %add3A_56 {strides = array<i32>} : memref<4680x128xf32, #tpu.memory_space<vmem>>, vector<65x128xf32>,
    %get3A_60 = arith.constant 6 : index
    %get3A_61 = arith.constant 0 : index
    %get3A_62 = vector.load %arg2[%get3A_60, %get3A_61] : memref<65x128xf32, #tpu.memory_space<vmem>>, vector<1x128xf32>
    %add3A_63 = vector.broadcast %get3A_62 : vector<1x128xf32> to vector<65x128xf32>
    %add3A_64 = arith.addf %add3A_63, %get3A_11 : vector<65x128xf32>
    %swap3A_65 = arith.constant 432 : index
    %swap3A_66 = arith.constant 0 : index
    %swap3A_67 = vector.load %arg5[%swap3A_65, %swap3A_66] : memref<4680x128xf32, #tpu.memory_space<vmem>>, vector<65x128xf32>
    tpu.vector_store %arg5[%swap3A_65, %swap3A_66], %add3A_64 {strides = array<i32>} : memref<4680x128xf32, #tpu.memory_space<vmem>>, vector<65x128xf32>,
    %get3A_68 = arith.constant 7 : index
    %get3A_69 = arith.constant 0 : index
    %get3A_70 = vector.load %arg2[%get3A_68, %get3A_69] : memref<65x128xf32, #tpu.memory_space<vmem>>, vector<1x128xf32>
    %add3A_71 = vector.broadcast %get3A_70 : vector<1x128xf32> to vector<65x128xf32>
    %add3A_72 = arith.addf %add3A_71, %get3A_11 : vector<65x128xf32>
    %swap3A_73 = arith.constant 504 : index
    %swap3A_74 = arith.constant 0 : index
    %swap3A_75 = vector.load %arg5[%swap3A_73, %swap3A_74] : memref<4680x128xf32, #tpu.memory_space<vmem>>, vector<65x128xf32>
    tpu.vector_store %arg5[%swap3A_73, %swap3A_74], %add3A_72 {strides = array<i32>} : memref<4680x128xf32, #tpu.memory_space<vmem>>, vector<65x128xf32>,
    %get3A_76 = arith.constant 8 : index
    %get3A_77 = arith.constant 0 : index
    %get3A_78 = vector.load %arg2[%get3A_76, %get3A_77] : memref<65x128xf32, #tpu.memory_space<vmem>>, vector<1x128xf32>
    %add3A_79 = vector.broadcast %get3A_78 : vector<1x128xf32> to vector<65x128xf32>
    %add3A_80 = arith.addf %add3A_79, %get3A_11 : vector<65x128xf32>
    %swap3A_81 = arith.constant 576 : index
    %swap3A_82 = arith.constant 0 : index
    %swap3A_83 = vector.load %arg5[%swap3A_81, %swap3A_82] : memref<4680x128xf32, #tpu.memory_space<vmem>>, vector<65x128xf32>
    tpu.vector_store %arg5[%swap3A_81, %swap3A_82], %add3A_80 {strides = array<i32>} : memref<4680x128xf32, #tpu.memory_space<vmem>>, vector<65x128xf32>,
    %get3A_84 = arith.constant 9 : index
    %get3A_85 = arith.constant 0 : index
    %get3A_86 = vector.load %arg2[%get3A_84, %get3A_85] : memref<65x128xf32, #tpu.memory_space<vmem>>, vector<1x128xf32>
    %add3A_87 = vector.broadcast %get3A_86 : vector<1x128xf32> to vector<65x128xf32>
    %add3A_88 = arith.addf %add3A_87, %get3A_11 : vector<65x128xf32>
    %swap3A_89 = arith.constant 648 : index
    %swap3A_90 = arith.constant 0 : index
    %swap3A_91 = vector.load %arg5[%swap3A_89, %swap3A_90] : memref<4680x128xf32, #tpu.memory_space<vmem>>, vector<65x128xf32>
    tpu.vector_store %arg5[%swap3A_89, %swap3A_90], %add3A_88 {strides = array<i32>} : memref<4680x128xf32, #tpu.memory_space<vmem>>, vector<65x128xf32>,
    %get3A_92 = arith.constant 10 : index
    %get3A_93 = arith.constant 0 : index
    %get3A_94 = vector.load %arg2[%get3A_92, %get3A_93] : memref<65x128xf32, #tpu.memory_space<vmem>>, vector<1x128xf32>
    %add3A_95 = vector.broadcast %get3A_94 : vector<1x128xf32> to vector<65x128xf32>
    %add3A_96 = arith.addf %add3A_95, %get3A_11 : vector<65x128xf32>
    %swap3A_97 = arith.constant 720 : index
    %swap3A_98 = arith.constant 0 : index
    %swap3A_99 = vector.load %arg5[%swap3A_97, %swap3A_98] : memref<4680x128xf32, #tpu.memory_space<vmem>>, vector<65x128xf32>
    tpu.vector_store %arg5[%swap3A_97, %swap3A_98], %add3A_96 {strides = array<i32>} : memref<4680x128xf32, #tpu.memory_space<vmem>>, vector<65x128xf32>,
    %get3A_100 = arith.constant 11 : index
    %get3A_101 = arith.constant 0 : index
    %get3A_102 = vector.load %arg2[%get3A_100, %get3A_101] : memref<65x128xf32, #tpu.memory_space<vmem>>, vector<1x128xf32>
    %add3A_103 = vector.broadcast %get3A_102 : vector<1x128xf32> to vector<65x128xf32>
    %add3A_104 = arith.addf %add3A_103, %get3A_11 : vector<65x128xf32>
    %swap3A_105 = arith.constant 792 : index
    %swap3A_106 = arith.constant 0 : index
    %swap3A_107 = vector.load %arg5[%swap3A_105, %swap3A_106] : memref<4680x128xf32, #tpu.memory_space<vmem>>, vector<65x128xf32>
    tpu.vector_store %arg5[%swap3A_105, %swap3A_106], %add3A_104 {strides = array<i32>} : memref<4680x128xf32, #tpu.memory_space<vmem>>, vector<65x128xf32>,
    %get3A_108 = arith.constant 12 : index
    %get3A_109 = arith.constant 0 : index
    %get3A_110 = vector.load %arg2[%get3A_108, %get3A_109] : memref<65x128xf32, #tpu.memory_space<vmem>>, vector<1x128xf32>
    %add3A_111 = vector.broadcast %get3A_110 : vector<1x128xf32> to vector<65x128xf32>
    %add3A_112 = arith.addf %add3A_111, %get3A_11 : vector<65x128xf32>
    %swap3A_113 = arith.constant 864 : index
    %swap3A_114 = arith.constant 0 : index
    %swap3A_115 = vector.load %arg5[%swap3A_113, %swap3A_114] : memref<4680x128xf32, #tpu.memory_space<vmem>>, vector<65x128xf32>
    tpu.vector_store %arg5[%swap3A_113, %swap3A_114], %add3A_112 {strides = array<i32>} : memref<4680x128xf32, #tpu.memory_space<vmem>>, vector<65x128xf32>,
    %get3A_116 = arith.constant 13 : index
    %get3A_117 = arith.constant 0 : index
    %get3A_118 = vector.load %arg2[%get3A_116, %get3A_117] : memref<65x128xf32, #tpu.memory_space<vmem>>, vector<1x128xf32>
    %add3A_119 = vector.broadcast %get3A_118 : vector<1x128xf32> to vector<65x128xf32>
    %add3A_120 = arith.addf %add3A_119, %get3A_11 : vector<65x128xf32>
    %swap3A_121 = arith.constant 936 : index
    %swap3A_122 = arith.constant 0 : index
    %swap3A_123 = vector.load %arg5[%swap3A_121, %swap3A_122] : memref<4680x128xf32, #tpu.memory_space<vmem>>, vector<65x128xf32>
    tpu.vector_store %arg5[%swap3A_121, %swap3A_122], %add3A_120 {strides = array<i32>} : memref<4680x128xf32, #tpu.memory_space<vmem>>, vector<65x128xf32>,
    %get3A_124 = arith.constant 14 : index
    %get3A_125 = arith.constant 0 : index
    %get3A_126 = vector.load %arg2[%get3A_124, %get3A_125] : memref<65x128xf32, #tpu.memory_space<vmem>>, vector<1x128xf32>
    %add3A_127 = vector.broadcast %get3A_126 : vector<1x128xf32> to vector<65x128xf32>
    %add3A_128 = arith.addf %add3A_127, %get3A_11 : vector<65x128xf32>
    %swap3A_129 = arith.constant 1008 : index
    %swap3A_130 = arith.constant 0 : index
    %swap3A_131 = vector.load %arg5[%swap3A_129, %swap3A_130] : memref<4680x128xf32, #tpu.memory_space<vmem>>, vector<65x128xf32>
    tpu.vector_store %arg5[%swap3A_129, %swap3A_130], %add3A_128 {strides = array<i32>} : memref<4680x128xf32, #tpu.memory_space<vmem>>, vector<65x128xf32>,
    %get3A_132 = arith.constant 15 : index
    %get3A_133 = arith.constant 0 : index
    %get3A_134 = vector.load %arg2[%get3A_132, %get3A_133] : memref<65x128xf32, #tpu.memory_space<vmem>>, vector<1x128xf32>
    %add3A_135 = vector.broadcast %get3A_134 : vector<1x128xf32> to vector<65x128xf32>
    %add3A_136 = arith.addf %add3A_135, %get3A_11 : vector<65x128xf32>
    %swap3A_137 = arith.constant 1080 : index
    %swap3A_138 = arith.constant 0 : index
    %swap3A_139 = vector.load %arg5[%swap3A_137, %swap3A_138] : memref<4680x128xf32, #tpu.memory_space<vmem>>, vector<65x128xf32>
    tpu.vector_store %arg5[%swap3A_137, %swap3A_138], %add3A_136 {strides = array<i32>} : memref<4680x128xf32, #tpu.memory_space<vmem>>, vector<65x128xf32>,
    %get3A_140 = arith.constant 16 : index
    %get3A_141 = arith.constant 0 : index
    %get3A_142 = vector.load %arg2[%get3A_140, %get3A_141] : memref<65x128xf32, #tpu.memory_space<vmem>>, vector<1x128xf32>
    %add3A_143 = vector.broadcast %get3A_142 : vector<1x128xf32> to vector<65x128xf32>
    %add3A_144 = arith.addf %add3A_143, %get3A_11 : vector<65x128xf32>
    %swap3A_145 = arith.constant 1152 : index
    %swap3A_146 = arith.constant 0 : index
    %swap3A_147 = vector.load %arg5[%swap3A_145, %swap3A_146] : memref<4680x128xf32, #tpu.memory_space<vmem>>, vector<65x128xf32>
    tpu.vector_store %arg5[%swap3A_145, %swap3A_146], %add3A_144 {strides = array<i32>} : memref<4680x128xf32, #tpu.memory_space<vmem>>, vector<65x128xf32>,
    %get3A_148 = arith.constant 17 : index
    %get3A_149 = arith.constant 0 : index
    %get3A_150 = vector.load %arg2[%get3A_148, %get3A_149] : memref<65x128xf32, #tpu.memory_space<vmem>>, vector<1x128xf32>
    %add3A_151 = vector.broadcast %get3A_150 : vector<1x128xf32> to vector<65x128xf32>
    %add3A_152 = arith.addf %add3A_151, %get3A_11 : vector<65x128xf32>
    %swap3A_153 = arith.constant 1224 : index
    %swap3A_154 = arith.constant 0 : index
    %swap3A_155 = vector.load %arg5[%swap3A_153, %swap3A_154] : memref<4680x128xf32, #tpu.memory_space<vmem>>, vector<65x128xf32>
    tpu.vector_store %arg5[%swap3A_153, %swap3A_154], %add3A_152 {strides = array<i32>} : memref<4680x128xf32, #tpu.memory_space<vmem>>, vector<65x128xf32>,
    %get3A_156 = arith.constant 18 : index
    %get3A_157 = arith.constant 0 : index
    %get3A_158 = vector.load %arg2[%get3A_156, %get3A_157] : memref<65x128xf32, #tpu.memory_space<vmem>>, vector<1x128xf32>
    %add3A_159 = vector.broadcast %get3A_158 : vector<1x128xf32> to vector<65x128xf32>
    %add3A_160 = arith.addf %add3A_159, %get3A_11 : vector<65x128xf32>
    %swap3A_161 = arith.constant 1296 : index
    %swap3A_162 = arith.constant 0 : index
    %swap3A_163 = vector.load %arg5[%swap3A_161, %swap3A_162] : memref<4680x128xf32, #tpu.memory_space<vmem>>, vector<65x128xf32>
    tpu.vector_store %arg5[%swap3A_161, %swap3A_162], %add3A_160 {strides = array<i32>} : memref<4680x128xf32, #tpu.memory_space<vmem>>, vector<65x128xf32>,
    %get3A_164 = arith.constant 19 : index
    %get3A_165 = arith.constant 0 : index
    %get3A_166 = vector.load %arg2[%get3A_164, %get3A_165] : memref<65x128xf32, #tpu.memory_space<vmem>>, vector<1x128xf32>
    %add3A_167 = vector.broadcast %get3A_166 : vector<1x128xf32> to vector<65x128xf32>
    %add3A_168 = arith.addf %add3A_167, %get3A_11 : vector<65x128xf32>
    %swap3A_169 = arith.constant 1368 : index
    %swap3A_170 = arith.constant 0 : index
    %swap3A_171 = vector.load %arg5[%swap3A_169, %swap3A_170] : memref<4680x128xf32, #tpu.memory_space<vmem>>, vector<65x128xf32>
    tpu.vector_store %arg5[%swap3A_169, %swap3A_170], %add3A_168 {strides = array<i32>} : memref<4680x128xf32, #tpu.memory_space<vmem>>, vector<65x128xf32>,
    %get3A_172 = arith.constant 20 : index
    %get3A_173 = arith.constant 0 : index
    %get3A_174 = vector.load %arg2[%get3A_172, %get3A_173] : memref<65x128xf32, #tpu.memory_space<vmem>>, vector<1x128xf32>
    %add3A_175 = vector.broadcast %get3A_174 : vector<1x128xf32> to vector<65x128xf32>
    %add3A_176 = arith.addf %add3A_175, %get3A_11 : vector<65x128xf32>
    %swap3A_177 = arith.constant 1440 : index
    %swap3A_178 = arith.constant 0 : index
    %swap3A_179 = vector.load %arg5[%swap3A_177, %swap3A_178] : memref<4680x128xf32, #tpu.memory_space<vmem>>, vector<65x128xf32>
    tpu.vector_store %arg5[%swap3A_177, %swap3A_178], %add3A_176 {strides = array<i32>} : memref<4680x128xf32, #tpu.memory_space<vmem>>, vector<65x128xf32>,
    %get3A_180 = arith.constant 21 : index
    %get3A_181 = arith.constant 0 : index
    %get3A_182 = vector.load %arg2[%get3A_180, %get3A_181] : memref<65x128xf32, #tpu.memory_space<vmem>>, vector<1x128xf32>
    %add3A_183 = vector.broadcast %get3A_182 : vector<1x128xf32> to vector<65x128xf32>
    %add3A_184 = arith.addf %add3A_183, %get3A_11 : vector<65x128xf32>
    %swap3A_185 = arith.constant 1512 : index
    %swap3A_186 = arith.constant 0 : index
    %swap3A_187 = vector.load %arg5[%swap3A_185, %swap3A_186] : memref<4680x128xf32, #tpu.memory_space<vmem>>, vector<65x128xf32>
    tpu.vector_store %arg5[%swap3A_185, %swap3A_186], %add3A_184 {strides = array<i32>} : memref<4680x128xf32, #tpu.memory_space<vmem>>, vector<65x128xf32>,
    %get3A_188 = arith.constant 22 : index
    %get3A_189 = arith.constant 0 : index
    %get3A_190 = vector.load %arg2[%get3A_188, %get3A_189] : memref<65x128xf32, #tpu.memory_space<vmem>>, vector<1x128xf32>
    %add3A_191 = vector.broadcast %get3A_190 : vector<1x128xf32> to vector<65x128xf32>
    %add3A_192 = arith.addf %add3A_191, %get3A_11 : vector<65x128xf32>
    %swap3A_193 = arith.constant 1584 : index
    %swap3A_194 = arith.constant 0 : index
    %swap3A_195 = vector.load %arg5[%swap3A_193, %swap3A_194] : memref<4680x128xf32, #tpu.memory_space<vmem>>, vector<65x128xf32>
    tpu.vector_store %arg5[%swap3A_193, %swap3A_194], %add3A_192 {strides = array<i32>} : memref<4680x128xf32, #tpu.memory_space<vmem>>, vector<65x128xf32>,
    %get3A_196 = arith.constant 23 : index
    %get3A_197 = arith.constant 0 : index
    %get3A_198 = vector.load %arg2[%get3A_196, %get3A_197] : memref<65x128xf32, #tpu.memory_space<vmem>>, vector<1x128xf32>
    %add3A_199 = vector.broadcast %get3A_198 : vector<1x128xf32> to vector<65x128xf32>
    %add3A_200 = arith.addf %add3A_199, %get3A_11 : vector<65x128xf32>
    %swap3A_201 = arith.constant 1656 : index
    %swap3A_202 = arith.constant 0 : index
    %swap3A_203 = vector.load %arg5[%swap3A_201, %swap3A_202] : memref<4680x128xf32, #tpu.memory_space<vmem>>, vector<65x128xf32>
    tpu.vector_store %arg5[%swap3A_201, %swap3A_202], %add3A_200 {strides = array<i32>} : memref<4680x128xf32, #tpu.memory_space<vmem>>, vector<65x128xf32>,
    %get3A_204 = arith.constant 24 : index
    %get3A_205 = arith.constant 0 : index
    %get3A_206 = vector.load %arg2[%get3A_204, %get3A_205] : memref<65x128xf32, #tpu.memory_space<vmem>>, vector<1x128xf32>
    %add3A_207 = vector.broadcast %get3A_206 : vector<1x128xf32> to vector<65x128xf32>
    %add3A_208 = arith.addf %add3A_207, %get3A_11 : vector<65x128xf32>
    %swap3A_209 = arith.constant 1728 : index
    %swap3A_210 = arith.constant 0 : index
    %swap3A_211 = vector.load %arg5[%swap3A_209, %swap3A_210] : memref<4680x128xf32, #tpu.memory_space<vmem>>, vector<65x128xf32>
    tpu.vector_store %arg5[%swap3A_209, %swap3A_210], %add3A_208 {strides = array<i32>} : memref<4680x128xf32, #tpu.memory_space<vmem>>, vector<65x128xf32>,
    %get3A_212 = arith.constant 25 : index
    %get3A_213 = arith.constant 0 : index
    %get3A_214 = vector.load %arg2[%get3A_212, %get3A_213] : memref<65x128xf32, #tpu.memory_space<vmem>>, vector<1x128xf32>
    %add3A_215 = vector.broadcast %get3A_214 : vector<1x128xf32> to vector<65x128xf32>
    %add3A_216 = arith.addf %add3A_215, %get3A_11 : vector<65x128xf32>
    %swap3A_217 = arith.constant 1800 : index
    %swap3A_218 = arith.constant 0 : index
    %swap3A_219 = vector.load %arg5[%swap3A_217, %swap3A_218] : memref<4680x128xf32, #tpu.memory_space<vmem>>, vector<65x128xf32>
    tpu.vector_store %arg5[%swap3A_217, %swap3A_218], %add3A_216 {strides = array<i32>} : memref<4680x128xf32, #tpu.memory_space<vmem>>, vector<65x128xf32>,
    %get3A_220 = arith.constant 26 : index
    %get3A_221 = arith.constant 0 : index
    %get3A_222 = vector.load %arg2[%get3A_220, %get3A_221] : memref<65x128xf32, #tpu.memory_space<vmem>>, vector<1x128xf32>
    %add3A_223 = vector.broadcast %get3A_222 : vector<1x128xf32> to vector<65x128xf32>
    %add3A_224 = arith.addf %add3A_223, %get3A_11 : vector<65x128xf32>
    %swap3A_225 = arith.constant 1872 : index
    %swap3A_226 = arith.constant 0 : index
    %swap3A_227 = vector.load %arg5[%swap3A_225, %swap3A_226] : memref<4680x128xf32, #tpu.memory_space<vmem>>, vector<65x128xf32>
    tpu.vector_store %arg5[%swap3A_225, %swap3A_226], %add3A_224 {strides = array<i32>} : memref<4680x128xf32, #tpu.memory_space<vmem>>, vector<65x128xf32>,
    %get3A_228 = arith.constant 27 : index
    %get3A_229 = arith.constant 0 : index
    %get3A_230 = vector.load %arg2[%get3A_228, %get3A_229] : memref<65x128xf32, #tpu.memory_space<vmem>>, vector<1x128xf32>
    %add3A_231 = vector.broadcast %get3A_230 : vector<1x128xf32> to vector<65x128xf32>
    %add3A_232 = arith.addf %add3A_231, %get3A_11 : vector<65x128xf32>
    %swap3A_233 = arith.constant 1944 : index
    %swap3A_234 = arith.constant 0 : index
    %swap3A_235 = vector.load %arg5[%swap3A_233, %swap3A_234] : memref<4680x128xf32, #tpu.memory_space<vmem>>, vector<65x128xf32>
    tpu.vector_store %arg5[%swap3A_233, %swap3A_234], %add3A_232 {strides = array<i32>} : memref<4680x128xf32, #tpu.memory_space<vmem>>, vector<65x128xf32>,
    %get3A_236 = arith.constant 28 : index
    %get3A_237 = arith.constant 0 : index
    %get3A_238 = vector.load %arg2[%get3A_236, %get3A_237] : memref<65x128xf32, #tpu.memory_space<vmem>>, vector<1x128xf32>
    %add3A_239 = vector.broadcast %get3A_238 : vector<1x128xf32> to vector<65x128xf32>
    %add3A_240 = arith.addf %add3A_239, %get3A_11 : vector<65x128xf32>
    %swap3A_241 = arith.constant 2016 : index
    %swap3A_242 = arith.constant 0 : index
    %swap3A_243 = vector.load %arg5[%swap3A_241, %swap3A_242] : memref<4680x128xf32, #tpu.memory_space<vmem>>, vector<65x128xf32>
    tpu.vector_store %arg5[%swap3A_241, %swap3A_242], %add3A_240 {strides = array<i32>} : memref<4680x128xf32, #tpu.memory_space<vmem>>, vector<65x128xf32>,
    %get3A_244 = arith.constant 29 : index
    %get3A_245 = arith.constant 0 : index
    %get3A_246 = vector.load %arg2[%get3A_244, %get3A_245] : memref<65x128xf32, #tpu.memory_space<vmem>>, vector<1x128xf32>
    %add3A_247 = vector.broadcast %get3A_246 : vector<1x128xf32> to vector<65x128xf32>
    %add3A_248 = arith.addf %add3A_247, %get3A_11 : vector<65x128xf32>
    %swap3A_249 = arith.constant 2088 : index
    %swap3A_250 = arith.constant 0 : index
    %swap3A_251 = vector.load %arg5[%swap3A_249, %swap3A_250] : memref<4680x128xf32, #tpu.memory_space<vmem>>, vector<65x128xf32>
    tpu.vector_store %arg5[%swap3A_249, %swap3A_250], %add3A_248 {strides = array<i32>} : memref<4680x128xf32, #tpu.memory_space<vmem>>, vector<65x128xf32>,
    %get3A_252 = arith.constant 30 : index
    %get3A_253 = arith.constant 0 : index
    %get3A_254 = vector.load %arg2[%get3A_252, %get3A_253] : memref<65x128xf32, #tpu.memory_space<vmem>>, vector<1x128xf32>
    %add3A_255 = vector.broadcast %get3A_254 : vector<1x128xf32> to vector<65x128xf32>
    %add3A_256 = arith.addf %add3A_255, %get3A_11 : vector<65x128xf32>
    %swap3A_257 = arith.constant 2160 : index
    %swap3A_258 = arith.constant 0 : index
    %swap3A_259 = vector.load %arg5[%swap3A_257, %swap3A_258] : memref<4680x128xf32, #tpu.memory_space<vmem>>, vector<65x128xf32>
    tpu.vector_store %arg5[%swap3A_257, %swap3A_258], %add3A_256 {strides = array<i32>} : memref<4680x128xf32, #tpu.memory_space<vmem>>, vector<65x128xf32>,
    %get3A_260 = arith.constant 31 : index
    %get3A_261 = arith.constant 0 : index
    %get3A_262 = vector.load %arg2[%get3A_260, %get3A_261] : memref<65x128xf32, #tpu.memory_space<vmem>>, vector<1x128xf32>
    %add3A_263 = vector.broadcast %get3A_262 : vector<1x128xf32> to vector<65x128xf32>
    %add3A_264 = arith.addf %add3A_263, %get3A_11 : vector<65x128xf32>
    %swap3A_265 = arith.constant 2232 : index
    %swap3A_266 = arith.constant 0 : index
    %swap3A_267 = vector.load %arg5[%swap3A_265, %swap3A_266] : memref<4680x128xf32, #tpu.memory_space<vmem>>, vector<65x128xf32>
    tpu.vector_store %arg5[%swap3A_265, %swap3A_266], %add3A_264 {strides = array<i32>} : memref<4680x128xf32, #tpu.memory_space<vmem>>, vector<65x128xf32>,
    %get3A_268 = arith.constant 32 : index
    %get3A_269 = arith.constant 0 : index
    %get3A_270 = vector.load %arg2[%get3A_268, %get3A_269] : memref<65x128xf32, #tpu.memory_space<vmem>>, vector<1x128xf32>
    %add3A_271 = vector.broadcast %get3A_270 : vector<1x128xf32> to vector<65x128xf32>
    %add3A_272 = arith.addf %add3A_271, %get3A_11 : vector<65x128xf32>
    %swap3A_273 = arith.constant 2304 : index
    %swap3A_274 = arith.constant 0 : index
    %swap3A_275 = vector.load %arg5[%swap3A_273, %swap3A_274] : memref<4680x128xf32, #tpu.memory_space<vmem>>, vector<65x128xf32>
    tpu.vector_store %arg5[%swap3A_273, %swap3A_274], %add3A_272 {strides = array<i32>} : memref<4680x128xf32, #tpu.memory_space<vmem>>, vector<65x128xf32>,
    %get3A_276 = arith.constant 33 : index
    %get3A_277 = arith.constant 0 : index
    %get3A_278 = vector.load %arg2[%get3A_276, %get3A_277] : memref<65x128xf32, #tpu.memory_space<vmem>>, vector<1x128xf32>
    %add3A_279 = vector.broadcast %get3A_278 : vector<1x128xf32> to vector<65x128xf32>
    %add3A_280 = arith.addf %add3A_279, %get3A_11 : vector<65x128xf32>
    %swap3A_281 = arith.constant 2376 : index
    %swap3A_282 = arith.constant 0 : index
    %swap3A_283 = vector.load %arg5[%swap3A_281, %swap3A_282] : memref<4680x128xf32, #tpu.memory_space<vmem>>, vector<65x128xf32>
    tpu.vector_store %arg5[%swap3A_281, %swap3A_282], %add3A_280 {strides = array<i32>} : memref<4680x128xf32, #tpu.memory_space<vmem>>, vector<65x128xf32>,
    %get3A_284 = arith.constant 34 : index
    %get3A_285 = arith.constant 0 : index
    %get3A_286 = vector.load %arg2[%get3A_284, %get3A_285] : memref<65x128xf32, #tpu.memory_space<vmem>>, vector<1x128xf32>
    %add3A_287 = vector.broadcast %get3A_286 : vector<1x128xf32> to vector<65x128xf32>
    %add3A_288 = arith.addf %add3A_287, %get3A_11 : vector<65x128xf32>
    %swap3A_289 = arith.constant 2448 : index
    %swap3A_290 = arith.constant 0 : index
    %swap3A_291 = vector.load %arg5[%swap3A_289, %swap3A_290] : memref<4680x128xf32, #tpu.memory_space<vmem>>, vector<65x128xf32>
    tpu.vector_store %arg5[%swap3A_289, %swap3A_290], %add3A_288 {strides = array<i32>} : memref<4680x128xf32, #tpu.memory_space<vmem>>, vector<65x128xf32>,
    %get3A_292 = arith.constant 35 : index
    %get3A_293 = arith.constant 0 : index
    %get3A_294 = vector.load %arg2[%get3A_292, %get3A_293] : memref<65x128xf32, #tpu.memory_space<vmem>>, vector<1x128xf32>
    %add3A_295 = vector.broadcast %get3A_294 : vector<1x128xf32> to vector<65x128xf32>
    %add3A_296 = arith.addf %add3A_295, %get3A_11 : vector<65x128xf32>
    %swap3A_297 = arith.constant 2520 : index
    %swap3A_298 = arith.constant 0 : index
    %swap3A_299 = vector.load %arg5[%swap3A_297, %swap3A_298] : memref<4680x128xf32, #tpu.memory_space<vmem>>, vector<65x128xf32>
    tpu.vector_store %arg5[%swap3A_297, %swap3A_298], %add3A_296 {strides = array<i32>} : memref<4680x128xf32, #tpu.memory_space<vmem>>, vector<65x128xf32>,
    %get3A_300 = arith.constant 36 : index
    %get3A_301 = arith.constant 0 : index
    %get3A_302 = vector.load %arg2[%get3A_300, %get3A_301] : memref<65x128xf32, #tpu.memory_space<vmem>>, vector<1x128xf32>
    %add3A_303 = vector.broadcast %get3A_302 : vector<1x128xf32> to vector<65x128xf32>
    %add3A_304 = arith.addf %add3A_303, %get3A_11 : vector<65x128xf32>
    %swap3A_305 = arith.constant 2592 : index
    %swap3A_306 = arith.constant 0 : index
    %swap3A_307 = vector.load %arg5[%swap3A_305, %swap3A_306] : memref<4680x128xf32, #tpu.memory_space<vmem>>, vector<65x128xf32>
    tpu.vector_store %arg5[%swap3A_305, %swap3A_306], %add3A_304 {strides = array<i32>} : memref<4680x128xf32, #tpu.memory_space<vmem>>, vector<65x128xf32>,
    %get3A_308 = arith.constant 37 : index
    %get3A_309 = arith.constant 0 : index
    %get3A_310 = vector.load %arg2[%get3A_308, %get3A_309] : memref<65x128xf32, #tpu.memory_space<vmem>>, vector<1x128xf32>
    %add3A_311 = vector.broadcast %get3A_310 : vector<1x128xf32> to vector<65x128xf32>
    %add3A_312 = arith.addf %add3A_311, %get3A_11 : vector<65x128xf32>
    %swap3A_313 = arith.constant 2664 : index
    %swap3A_314 = arith.constant 0 : index
    %swap3A_315 = vector.load %arg5[%swap3A_313, %swap3A_314] : memref<4680x128xf32, #tpu.memory_space<vmem>>, vector<65x128xf32>
    tpu.vector_store %arg5[%swap3A_313, %swap3A_314], %add3A_312 {strides = array<i32>} : memref<4680x128xf32, #tpu.memory_space<vmem>>, vector<65x128xf32>,
    %get3A_316 = arith.constant 38 : index
    %get3A_317 = arith.constant 0 : index
    %get3A_318 = vector.load %arg2[%get3A_316, %get3A_317] : memref<65x128xf32, #tpu.memory_space<vmem>>, vector<1x128xf32>
    %add3A_319 = vector.broadcast %get3A_318 : vector<1x128xf32> to vector<65x128xf32>
    %add3A_320 = arith.addf %add3A_319, %get3A_11 : vector<65x128xf32>
    %swap3A_321 = arith.constant 2736 : index
    %swap3A_322 = arith.constant 0 : index
    %swap3A_323 = vector.load %arg5[%swap3A_321, %swap3A_322] : memref<4680x128xf32, #tpu.memory_space<vmem>>, vector<65x128xf32>
    tpu.vector_store %arg5[%swap3A_321, %swap3A_322], %add3A_320 {strides = array<i32>} : memref<4680x128xf32, #tpu.memory_space<vmem>>, vector<65x128xf32>,
    %get3A_324 = arith.constant 39 : index
    %get3A_325 = arith.constant 0 : index
    %get3A_326 = vector.load %arg2[%get3A_324, %get3A_325] : memref<65x128xf32, #tpu.memory_space<vmem>>, vector<1x128xf32>
    %add3A_327 = vector.broadcast %get3A_326 : vector<1x128xf32> to vector<65x128xf32>
    %add3A_328 = arith.addf %add3A_327, %get3A_11 : vector<65x128xf32>
    %swap3A_329 = arith.constant 2808 : index
    %swap3A_330 = arith.constant 0 : index
    %swap3A_331 = vector.load %arg5[%swap3A_329, %swap3A_330] : memref<4680x128xf32, #tpu.memory_space<vmem>>, vector<65x128xf32>
    tpu.vector_store %arg5[%swap3A_329, %swap3A_330], %add3A_328 {strides = array<i32>} : memref<4680x128xf32, #tpu.memory_space<vmem>>, vector<65x128xf32>,
    %get3A_332 = arith.constant 40 : index
    %get3A_333 = arith.constant 0 : index
    %get3A_334 = vector.load %arg2[%get3A_332, %get3A_333] : memref<65x128xf32, #tpu.memory_space<vmem>>, vector<1x128xf32>
    %add3A_335 = vector.broadcast %get3A_334 : vector<1x128xf32> to vector<65x128xf32>
    %add3A_336 = arith.addf %add3A_335, %get3A_11 : vector<65x128xf32>
    %swap3A_337 = arith.constant 2880 : index
    %swap3A_338 = arith.constant 0 : index
    %swap3A_339 = vector.load %arg5[%swap3A_337, %swap3A_338] : memref<4680x128xf32, #tpu.memory_space<vmem>>, vector<65x128xf32>
    tpu.vector_store %arg5[%swap3A_337, %swap3A_338], %add3A_336 {strides = array<i32>} : memref<4680x128xf32, #tpu.memory_space<vmem>>, vector<65x128xf32>,
    %get3A_340 = arith.constant 41 : index
    %get3A_341 = arith.constant 0 : index
    %get3A_342 = vector.load %arg2[%get3A_340, %get3A_341] : memref<65x128xf32, #tpu.memory_space<vmem>>, vector<1x128xf32>
    %add3A_343 = vector.broadcast %get3A_342 : vector<1x128xf32> to vector<65x128xf32>
    %add3A_344 = arith.addf %add3A_343, %get3A_11 : vector<65x128xf32>
    %swap3A_345 = arith.constant 2952 : index
    %swap3A_346 = arith.constant 0 : index
    %swap3A_347 = vector.load %arg5[%swap3A_345, %swap3A_346] : memref<4680x128xf32, #tpu.memory_space<vmem>>, vector<65x128xf32>
    tpu.vector_store %arg5[%swap3A_345, %swap3A_346], %add3A_344 {strides = array<i32>} : memref<4680x128xf32, #tpu.memory_space<vmem>>, vector<65x128xf32>,
    %get3A_348 = arith.constant 42 : index
    %get3A_349 = arith.constant 0 : index
    %get3A_350 = vector.load %arg2[%get3A_348, %get3A_349] : memref<65x128xf32, #tpu.memory_space<vmem>>, vector<1x128xf32>
    %add3A_351 = vector.broadcast %get3A_350 : vector<1x128xf32> to vector<65x128xf32>
    %add3A_352 = arith.addf %add3A_351, %get3A_11 : vector<65x128xf32>
    %swap3A_353 = arith.constant 3024 : index
    %swap3A_354 = arith.constant 0 : index
    %swap3A_355 = vector.load %arg5[%swap3A_353, %swap3A_354] : memref<4680x128xf32, #tpu.memory_space<vmem>>, vector<65x128xf32>
    tpu.vector_store %arg5[%swap3A_353, %swap3A_354], %add3A_352 {strides = array<i32>} : memref<4680x128xf32, #tpu.memory_space<vmem>>, vector<65x128xf32>,
    %get3A_356 = arith.constant 43 : index
    %get3A_357 = arith.constant 0 : index
    %get3A_358 = vector.load %arg2[%get3A_356, %get3A_357] : memref<65x128xf32, #tpu.memory_space<vmem>>, vector<1x128xf32>
    %add3A_359 = vector.broadcast %get3A_358 : vector<1x128xf32> to vector<65x128xf32>
    %add3A_360 = arith.addf %add3A_359, %get3A_11 : vector<65x128xf32>
    %swap3A_361 = arith.constant 3096 : index
    %swap3A_362 = arith.constant 0 : index
    %swap3A_363 = vector.load %arg5[%swap3A_361, %swap3A_362] : memref<4680x128xf32, #tpu.memory_space<vmem>>, vector<65x128xf32>
    tpu.vector_store %arg5[%swap3A_361, %swap3A_362], %add3A_360 {strides = array<i32>} : memref<4680x128xf32, #tpu.memory_space<vmem>>, vector<65x128xf32>,
    %get3A_364 = arith.constant 44 : index
    %get3A_365 = arith.constant 0 : index
    %get3A_366 = vector.load %arg2[%get3A_364, %get3A_365] : memref<65x128xf32, #tpu.memory_space<vmem>>, vector<1x128xf32>
    %add3A_367 = vector.broadcast %get3A_366 : vector<1x128xf32> to vector<65x128xf32>
    %add3A_368 = arith.addf %add3A_367, %get3A_11 : vector<65x128xf32>
    %swap3A_369 = arith.constant 3168 : index
    %swap3A_370 = arith.constant 0 : index
    %swap3A_371 = vector.load %arg5[%swap3A_369, %swap3A_370] : memref<4680x128xf32, #tpu.memory_space<vmem>>, vector<65x128xf32>
    tpu.vector_store %arg5[%swap3A_369, %swap3A_370], %add3A_368 {strides = array<i32>} : memref<4680x128xf32, #tpu.memory_space<vmem>>, vector<65x128xf32>,
    %get3A_372 = arith.constant 45 : index
    %get3A_373 = arith.constant 0 : index
    %get3A_374 = vector.load %arg2[%get3A_372, %get3A_373] : memref<65x128xf32, #tpu.memory_space<vmem>>, vector<1x128xf32>
    %add3A_375 = vector.broadcast %get3A_374 : vector<1x128xf32> to vector<65x128xf32>
    %add3A_376 = arith.addf %add3A_375, %get3A_11 : vector<65x128xf32>
    %swap3A_377 = arith.constant 3240 : index
    %swap3A_378 = arith.constant 0 : index
    %swap3A_379 = vector.load %arg5[%swap3A_377, %swap3A_378] : memref<4680x128xf32, #tpu.memory_space<vmem>>, vector<65x128xf32>
    tpu.vector_store %arg5[%swap3A_377, %swap3A_378], %add3A_376 {strides = array<i32>} : memref<4680x128xf32, #tpu.memory_space<vmem>>, vector<65x128xf32>,
    %get3A_380 = arith.constant 46 : index
    %get3A_381 = arith.constant 0 : index
    %get3A_382 = vector.load %arg2[%get3A_380, %get3A_381] : memref<65x128xf32, #tpu.memory_space<vmem>>, vector<1x128xf32>
    %add3A_383 = vector.broadcast %get3A_382 : vector<1x128xf32> to vector<65x128xf32>
    %add3A_384 = arith.addf %add3A_383, %get3A_11 : vector<65x128xf32>
    %swap3A_385 = arith.constant 3312 : index
    %swap3A_386 = arith.constant 0 : index
    %swap3A_387 = vector.load %arg5[%swap3A_385, %swap3A_386] : memref<4680x128xf32, #tpu.memory_space<vmem>>, vector<65x128xf32>
    tpu.vector_store %arg5[%swap3A_385, %swap3A_386], %add3A_384 {strides = array<i32>} : memref<4680x128xf32, #tpu.memory_space<vmem>>, vector<65x128xf32>,
    %get3A_388 = arith.constant 47 : index
    %get3A_389 = arith.constant 0 : index
    %get3A_390 = vector.load %arg2[%get3A_388, %get3A_389] : memref<65x128xf32, #tpu.memory_space<vmem>>, vector<1x128xf32>
    %add3A_391 = vector.broadcast %get3A_390 : vector<1x128xf32> to vector<65x128xf32>
    %add3A_392 = arith.addf %add3A_391, %get3A_11 : vector<65x128xf32>
    %swap3A_393 = arith.constant 3384 : index
    %swap3A_394 = arith.constant 0 : index
    %swap3A_395 = vector.load %arg5[%swap3A_393, %swap3A_394] : memref<4680x128xf32, #tpu.memory_space<vmem>>, vector<65x128xf32>
    tpu.vector_store %arg5[%swap3A_393, %swap3A_394], %add3A_392 {strides = array<i32>} : memref<4680x128xf32, #tpu.memory_space<vmem>>, vector<65x128xf32>,
    %get3A_396 = arith.constant 48 : index
    %get3A_397 = arith.constant 0 : index
    %get3A_398 = vector.load %arg2[%get3A_396, %get3A_397] : memref<65x128xf32, #tpu.memory_space<vmem>>, vector<1x128xf32>
    %add3A_399 = vector.broadcast %get3A_398 : vector<1x128xf32> to vector<65x128xf32>
    %add3A_400 = arith.addf %add3A_399, %get3A_11 : vector<65x128xf32>
    %swap3A_401 = arith.constant 3456 : index
    %swap3A_402 = arith.constant 0 : index
    %swap3A_403 = vector.load %arg5[%swap3A_401, %swap3A_402] : memref<4680x128xf32, #tpu.memory_space<vmem>>, vector<65x128xf32>
    tpu.vector_store %arg5[%swap3A_401, %swap3A_402], %add3A_400 {strides = array<i32>} : memref<4680x128xf32, #tpu.memory_space<vmem>>, vector<65x128xf32>,
    %get3A_404 = arith.constant 49 : index
    %get3A_405 = arith.constant 0 : index
    %get3A_406 = vector.load %arg2[%get3A_404, %get3A_405] : memref<65x128xf32, #tpu.memory_space<vmem>>, vector<1x128xf32>
    %add3A_407 = vector.broadcast %get3A_406 : vector<1x128xf32> to vector<65x128xf32>
    %add3A_408 = arith.addf %add3A_407, %get3A_11 : vector<65x128xf32>
    %swap3A_409 = arith.constant 3528 : index
    %swap3A_410 = arith.constant 0 : index
    %swap3A_411 = vector.load %arg5[%swap3A_409, %swap3A_410] : memref<4680x128xf32, #tpu.memory_space<vmem>>, vector<65x128xf32>
    tpu.vector_store %arg5[%swap3A_409, %swap3A_410], %add3A_408 {strides = array<i32>} : memref<4680x128xf32, #tpu.memory_space<vmem>>, vector<65x128xf32>,
    %get3A_412 = arith.constant 50 : index
    %get3A_413 = arith.constant 0 : index
    %get3A_414 = vector.load %arg2[%get3A_412, %get3A_413] : memref<65x128xf32, #tpu.memory_space<vmem>>, vector<1x128xf32>
    %add3A_415 = vector.broadcast %get3A_414 : vector<1x128xf32> to vector<65x128xf32>
    %add3A_416 = arith.addf %add3A_415, %get3A_11 : vector<65x128xf32>
    %swap3A_417 = arith.constant 3600 : index
    %swap3A_418 = arith.constant 0 : index
    %swap3A_419 = vector.load %arg5[%swap3A_417, %swap3A_418] : memref<4680x128xf32, #tpu.memory_space<vmem>>, vector<65x128xf32>
    tpu.vector_store %arg5[%swap3A_417, %swap3A_418], %add3A_416 {strides = array<i32>} : memref<4680x128xf32, #tpu.memory_space<vmem>>, vector<65x128xf32>,
    %get3A_420 = arith.constant 51 : index
    %get3A_421 = arith.constant 0 : index
    %get3A_422 = vector.load %arg2[%get3A_420, %get3A_421] : memref<65x128xf32, #tpu.memory_space<vmem>>, vector<1x128xf32>
    %add3A_423 = vector.broadcast %get3A_422 : vector<1x128xf32> to vector<65x128xf32>
    %add3A_424 = arith.addf %add3A_423, %get3A_11 : vector<65x128xf32>
    %swap3A_425 = arith.constant 3672 : index
    %swap3A_426 = arith.constant 0 : index
    %swap3A_427 = vector.load %arg5[%swap3A_425, %swap3A_426] : memref<4680x128xf32, #tpu.memory_space<vmem>>, vector<65x128xf32>
    tpu.vector_store %arg5[%swap3A_425, %swap3A_426], %add3A_424 {strides = array<i32>} : memref<4680x128xf32, #tpu.memory_space<vmem>>, vector<65x128xf32>,
    %get3A_428 = arith.constant 52 : index
    %get3A_429 = arith.constant 0 : index
    %get3A_430 = vector.load %arg2[%get3A_428, %get3A_429] : memref<65x128xf32, #tpu.memory_space<vmem>>, vector<1x128xf32>
    %add3A_431 = vector.broadcast %get3A_430 : vector<1x128xf32> to vector<65x128xf32>
    %add3A_432 = arith.addf %add3A_431, %get3A_11 : vector<65x128xf32>
    %swap3A_433 = arith.constant 3744 : index
    %swap3A_434 = arith.constant 0 : index
    %swap3A_435 = vector.load %arg5[%swap3A_433, %swap3A_434] : memref<4680x128xf32, #tpu.memory_space<vmem>>, vector<65x128xf32>
    tpu.vector_store %arg5[%swap3A_433, %swap3A_434], %add3A_432 {strides = array<i32>} : memref<4680x128xf32, #tpu.memory_space<vmem>>, vector<65x128xf32>,
    %get3A_436 = arith.constant 53 : index
    %get3A_437 = arith.constant 0 : index
    %get3A_438 = vector.load %arg2[%get3A_436, %get3A_437] : memref<65x128xf32, #tpu.memory_space<vmem>>, vector<1x128xf32>
    %add3A_439 = vector.broadcast %get3A_438 : vector<1x128xf32> to vector<65x128xf32>
    %add3A_440 = arith.addf %add3A_439, %get3A_11 : vector<65x128xf32>
    %swap3A_441 = arith.constant 3816 : index
    %swap3A_442 = arith.constant 0 : index
    %swap3A_443 = vector.load %arg5[%swap3A_441, %swap3A_442] : memref<4680x128xf32, #tpu.memory_space<vmem>>, vector<65x128xf32>
    tpu.vector_store %arg5[%swap3A_441, %swap3A_442], %add3A_440 {strides = array<i32>} : memref<4680x128xf32, #tpu.memory_space<vmem>>, vector<65x128xf32>,
    %get3A_444 = arith.constant 54 : index
    %get3A_445 = arith.constant 0 : index
    %get3A_446 = vector.load %arg2[%get3A_444, %get3A_445] : memref<65x128xf32, #tpu.memory_space<vmem>>, vector<1x128xf32>
    %add3A_447 = vector.broadcast %get3A_446 : vector<1x128xf32> to vector<65x128xf32>
    %add3A_448 = arith.addf %add3A_447, %get3A_11 : vector<65x128xf32>
    %swap3A_449 = arith.constant 3888 : index
    %swap3A_450 = arith.constant 0 : index
    %swap3A_451 = vector.load %arg5[%swap3A_449, %swap3A_450] : memref<4680x128xf32, #tpu.memory_space<vmem>>, vector<65x128xf32>
    tpu.vector_store %arg5[%swap3A_449, %swap3A_450], %add3A_448 {strides = array<i32>} : memref<4680x128xf32, #tpu.memory_space<vmem>>, vector<65x128xf32>,
    %get3A_452 = arith.constant 55 : index
    %get3A_453 = arith.constant 0 : index
    %get3A_454 = vector.load %arg2[%get3A_452, %get3A_453] : memref<65x128xf32, #tpu.memory_space<vmem>>, vector<1x128xf32>
    %add3A_455 = vector.broadcast %get3A_454 : vector<1x128xf32> to vector<65x128xf32>
    %add3A_456 = arith.addf %add3A_455, %get3A_11 : vector<65x128xf32>
    %swap3A_457 = arith.constant 3960 : index
    %swap3A_458 = arith.constant 0 : index
    %swap3A_459 = vector.load %arg5[%swap3A_457, %swap3A_458] : memref<4680x128xf32, #tpu.memory_space<vmem>>, vector<65x128xf32>
    tpu.vector_store %arg5[%swap3A_457, %swap3A_458], %add3A_456 {strides = array<i32>} : memref<4680x128xf32, #tpu.memory_space<vmem>>, vector<65x128xf32>,
    %get3A_460 = arith.constant 56 : index
    %get3A_461 = arith.constant 0 : index
    %get3A_462 = vector.load %arg2[%get3A_460, %get3A_461] : memref<65x128xf32, #tpu.memory_space<vmem>>, vector<1x128xf32>
    %add3A_463 = vector.broadcast %get3A_462 : vector<1x128xf32> to vector<65x128xf32>
    %add3A_464 = arith.addf %add3A_463, %get3A_11 : vector<65x128xf32>
    %swap3A_465 = arith.constant 4032 : index
    %swap3A_466 = arith.constant 0 : index
    %swap3A_467 = vector.load %arg5[%swap3A_465, %swap3A_466] : memref<4680x128xf32, #tpu.memory_space<vmem>>, vector<65x128xf32>
    tpu.vector_store %arg5[%swap3A_465, %swap3A_466], %add3A_464 {strides = array<i32>} : memref<4680x128xf32, #tpu.memory_space<vmem>>, vector<65x128xf32>,
    %get3A_468 = arith.constant 57 : index
    %get3A_469 = arith.constant 0 : index
    %get3A_470 = vector.load %arg2[%get3A_468, %get3A_469] : memref<65x128xf32, #tpu.memory_space<vmem>>, vector<1x128xf32>
    %add3A_471 = vector.broadcast %get3A_470 : vector<1x128xf32> to vector<65x128xf32>
    %add3A_472 = arith.addf %add3A_471, %get3A_11 : vector<65x128xf32>
    %swap3A_473 = arith.constant 4104 : index
    %swap3A_474 = arith.constant 0 : index
    %swap3A_475 = vector.load %arg5[%swap3A_473, %swap3A_474] : memref<4680x128xf32, #tpu.memory_space<vmem>>, vector<65x128xf32>
    tpu.vector_store %arg5[%swap3A_473, %swap3A_474], %add3A_472 {strides = array<i32>} : memref<4680x128xf32, #tpu.memory_space<vmem>>, vector<65x128xf32>,
    %get3A_476 = arith.constant 58 : index
    %get3A_477 = arith.constant 0 : index
    %get3A_478 = vector.load %arg2[%get3A_476, %get3A_477] : memref<65x128xf32, #tpu.memory_space<vmem>>, vector<1x128xf32>
    %add3A_479 = vector.broadcast %get3A_478 : vector<1x128xf32> to vector<65x128xf32>
    %add3A_480 = arith.addf %add3A_479, %get3A_11 : vector<65x128xf32>
    %swap3A_481 = arith.constant 4176 : index
    %swap3A_482 = arith.constant 0 : index
    %swap3A_483 = vector.load %arg5[%swap3A_481, %swap3A_482] : memref<4680x128xf32, #tpu.memory_space<vmem>>, vector<65x128xf32>
    tpu.vector_store %arg5[%swap3A_481, %swap3A_482], %add3A_480 {strides = array<i32>} : memref<4680x128xf32, #tpu.memory_space<vmem>>, vector<65x128xf32>,
    %get3A_484 = arith.constant 59 : index
    %get3A_485 = arith.constant 0 : index
    %get3A_486 = vector.load %arg2[%get3A_484, %get3A_485] : memref<65x128xf32, #tpu.memory_space<vmem>>, vector<1x128xf32>
    %add3A_487 = vector.broadcast %get3A_486 : vector<1x128xf32> to vector<65x128xf32>
    %add3A_488 = arith.addf %add3A_487, %get3A_11 : vector<65x128xf32>
    %swap3A_489 = arith.constant 4248 : index
    %swap3A_490 = arith.constant 0 : index
    %swap3A_491 = vector.load %arg5[%swap3A_489, %swap3A_490] : memref<4680x128xf32, #tpu.memory_space<vmem>>, vector<65x128xf32>
    tpu.vector_store %arg5[%swap3A_489, %swap3A_490], %add3A_488 {strides = array<i32>} : memref<4680x128xf32, #tpu.memory_space<vmem>>, vector<65x128xf32>,
    %get3A_492 = arith.constant 60 : index
    %get3A_493 = arith.constant 0 : index
    %get3A_494 = vector.load %arg2[%get3A_492, %get3A_493] : memref<65x128xf32, #tpu.memory_space<vmem>>, vector<1x128xf32>
    %add3A_495 = vector.broadcast %get3A_494 : vector<1x128xf32> to vector<65x128xf32>
    %add3A_496 = arith.addf %add3A_495, %get3A_11 : vector<65x128xf32>
    %swap3A_497 = arith.constant 4320 : index
    %swap3A_498 = arith.constant 0 : index
    %swap3A_499 = vector.load %arg5[%swap3A_497, %swap3A_498] : memref<4680x128xf32, #tpu.memory_space<vmem>>, vector<65x128xf32>
    tpu.vector_store %arg5[%swap3A_497, %swap3A_498], %add3A_496 {strides = array<i32>} : memref<4680x128xf32, #tpu.memory_space<vmem>>, vector<65x128xf32>,
    %get3A_500 = arith.constant 61 : index
    %get3A_501 = arith.constant 0 : index
    %get3A_502 = vector.load %arg2[%get3A_500, %get3A_501] : memref<65x128xf32, #tpu.memory_space<vmem>>, vector<1x128xf32>
    %add3A_503 = vector.broadcast %get3A_502 : vector<1x128xf32> to vector<65x128xf32>
    %add3A_504 = arith.addf %add3A_503, %get3A_11 : vector<65x128xf32>
    %swap3A_505 = arith.constant 4392 : index
    %swap3A_506 = arith.constant 0 : index
    %swap3A_507 = vector.load %arg5[%swap3A_505, %swap3A_506] : memref<4680x128xf32, #tpu.memory_space<vmem>>, vector<65x128xf32>
    tpu.vector_store %arg5[%swap3A_505, %swap3A_506], %add3A_504 {strides = array<i32>} : memref<4680x128xf32, #tpu.memory_space<vmem>>, vector<65x128xf32>,
    %get3A_508 = arith.constant 62 : index
    %get3A_509 = arith.constant 0 : index
    %get3A_510 = vector.load %arg2[%get3A_508, %get3A_509] : memref<65x128xf32, #tpu.memory_space<vmem>>, vector<1x128xf32>
    %add3A_511 = vector.broadcast %get3A_510 : vector<1x128xf32> to vector<65x128xf32>
    %add3A_512 = arith.addf %add3A_511, %get3A_11 : vector<65x128xf32>
    %swap3A_513 = arith.constant 4464 : index
    %swap3A_514 = arith.constant 0 : index
    %swap3A_515 = vector.load %arg5[%swap3A_513, %swap3A_514] : memref<4680x128xf32, #tpu.memory_space<vmem>>, vector<65x128xf32>
    tpu.vector_store %arg5[%swap3A_513, %swap3A_514], %add3A_512 {strides = array<i32>} : memref<4680x128xf32, #tpu.memory_space<vmem>>, vector<65x128xf32>,
    %get3A_516 = arith.constant 63 : index
    %get3A_517 = arith.constant 0 : index
    %get3A_518 = vector.load %arg2[%get3A_516, %get3A_517] : memref<65x128xf32, #tpu.memory_space<vmem>>, vector<1x128xf32>
    %add3A_519 = vector.broadcast %get3A_518 : vector<1x128xf32> to vector<65x128xf32>
    %add3A_520 = arith.addf %add3A_519, %get3A_11 : vector<65x128xf32>
    %swap3A_521 = arith.constant 4536 : index
    %swap3A_522 = arith.constant 0 : index
    %swap3A_523 = vector.load %arg5[%swap3A_521, %swap3A_522] : memref<4680x128xf32, #tpu.memory_space<vmem>>, vector<65x128xf32>
    tpu.vector_store %arg5[%swap3A_521, %swap3A_522], %add3A_520 {strides = array<i32>} : memref<4680x128xf32, #tpu.memory_space<vmem>>, vector<65x128xf32>,
    %get3A_524 = arith.constant 64 : index
    %get3A_525 = arith.constant 0 : index
    %get3A_526 = vector.load %arg2[%get3A_524, %get3A_525] : memref<65x128xf32, #tpu.memory_space<vmem>>, vector<1x128xf32>
    %add3A_527 = vector.broadcast %get3A_526 : vector<1x128xf32> to vector<65x128xf32>
    %add3A_528 = arith.addf %add3A_527, %get3A_11 : vector<65x128xf32>
    %swap3A_529 = arith.constant 4608 : index
    %swap3A_530 = arith.constant 0 : index
    %swap3A_531 = vector.load %arg5[%swap3A_529, %swap3A_530] : memref<4680x128xf32, #tpu.memory_space<vmem>>, vector<65x128xf32>
    tpu.vector_store %arg5[%swap3A_529, %swap3A_530], %add3A_528 {strides = array<i32>} : memref<4680x128xf32, #tpu.memory_space<vmem>>, vector<65x128xf32>,
    return
  }
}

</mosaic_0001>

<sc_bundles>
// kernel: kernel.4.cloned.1.call-start
scs
__scs_entry_jumppad:
0x0: {  	(pc) =	sbr.rel $0x88, $3  }
0x1: {  	(tag) =	ssettag $0x0;
	lr =	simm.s32 $0x1  }
0x2: {  	[smem:$0x3F9D] =	sst lr;
	_ =	strace $0xD0000000  }
0x3: {  	_ = 	snop  }
0x4: {  	_ = 	snop  }
0x5: {  	_ = 	snop  }
0x6: {  	_ = 	snop  }
0x7: {  	_ = 	snop  }
__scs_overlays_trampoline_lowered:
0x8: {  	[smem:$0x3FAC] =	sst s0  }
0x9: {  	[smem:$0x3FAD] =	sst s1  }
0xa: {  	[smem:$0x3FAE] =	sst s2  }
0xb: {  	[smem:$0x3FAF] =	sst s3  }
0xc: {  	[smem:$0x3FB0] =	sst s4  }
0xd: {  	[smem:$0x3FB1] =	sst s5  }
0xe: {  	[smem:$0x3FB2] =	sst s6  }
0xf: {  	[smem:$0x3FB3] =	sst s7  }
0x10: {  	[smem:$0x3FB4] =	sst s8  }
0x11: {  	[smem:$0x3FB5] =	sst s9;
	s0 =	simm.s32 @!p0 $0x0  }
0x12: {  	s1 =	sld [smem:$0x3F9B];
	s0 =	simm.s32 @p0 $0x1  }
0x13: {  	[smem:$0x3FB6] =	sst s0;
	s0 =	simm.s32 @!p1 $0x0  }
0x14: {  	s2 =	sld [smem:$0x3F9A];
	s0 =	simm.s32 @p1 $0x1  }
0x15: {  	[smem:$0x3FB7] =	sst s0;
	s0 =	simm.s32 @!p2 $0x0  }
0x16: {  	s3 =	sld [smem:$0x3FDB];
	s0 =	simm.s32 @p2 $0x1  }
0x17: {  	s4 =	simm.s32 $0x1BF5;
	[smem:$0x3FB9] =	sst s0  }
0x18: {  	s0 =	sld [smem:$0x3F9C];
	_ =	swait.ge [sflag:s4], $0x0  }
0x19: {  	s7 =	sld [smem:$0x3F9D]  }
0x1a: {  	s8 =	sadd.s32 $0xFFFFE003, lr  }
0x1b: {  	s9 =	sadd.s32 $0xFFFFFEF7, lr;
	s5 =	simm.s32 $0xFFFFFFFF;
	p2 =	slt.u32 s8, $0xFFFFF086  }
0x1c: {  	p1 =	slt.u32 s9, $0xF7A;
	s5 =	simm.s32 @!p2 $0x0  }
0x1d: {  	s5 =	simm.s32 @p1 $0x1;
	p0 =	seq.s32 s7, s2  }
0x1e: {  	s7 =	smul.u32 @!p0 $0xF7A, s2;
	p2 =	seq.s32 @!p0 s5, $0x0  }
0x1f: {  	s9 =	smul.u32 $0xF7A, s1;
	s8 =	simm.s32 @!p0 $0x1BF5;
	p2 =	por !p2, p0  }
0x20: {  	[sflag:s8] =	ssyncset.s32 @!p0 $0xFFFFF086;
	s6 =	sadd.s32 @!p0 s3, s7;
	s7 =	simm.s32 @!p0 $0x108  }
0x21: {  	s3 =	sadd.s32 s3, s9;
	s6 =	sadd.s32 @!p0 $0x88, s6;
	s7 =	simm.s32 @p2 $0x1082  }
0x22: {  	[simem:s7], [sflag:s8] =	dma.local @!p0 [hbm:s6], $0xF7A  }
0x23: {  	s9 =	sor.u32 $0xD0000000, s2;
	s6 =	simm.s32 $0x108;
	_ =	swait.ge @!p0 [sflag:s8], $0x0  }
0x24: {  	s3 =	sadd.s32 $0x88, s3;
	s6 =	simm.s32 @!p1 $0x1082;
	[sflag:s4] =	ssyncset.s32 $0xFFFFF086  }
0x25: {  	[simem:s6], [sflag:s4] =	dma.local [hbm:s3], $0xF7A  }
0x26: {  	[smem:$0x3F9D] =	sst s1;
	(tag) =	ssettag s2;
	_ =	strace s9  }
0x27: {  	s1 =	sld [smem:$0x3FAD]  }
0x28: {  	s2 =	sld [smem:$0x3FAE]  }
0x29: {  	s4 =	sld [smem:$0x3FB0]  }
0x2a: {  	p0 =	seq.s32 s5, $0x0;
	s5 =	sld [smem:$0x3FB1]  }
0x2b: {  	s6 =	sld [smem:$0x3FB2]  }
0x2c: {  	s7 =	sld [smem:$0x3FB3]  }
0x2d: {  	s3 =	simm.s32 $0x108;
	s8 =	sld [smem:$0x3FB4]  }
0x2e: {  	s3 =	simm.s32 @!p0 $0x1082;
	s9 =	sld [smem:$0x3FB5]  }
0x2f: {  	lr =	sadd.s32 s0, s3;
	s0 =	sld [smem:$0x3FAC]  }
0x30: {  	s3 =	sld [smem:$0x3FAF]  }
0x31: {  	[smem:$0x3FB8] =	sst s10  }
0x32: {  	s10 =	sld [smem:$0x3FB6];
	_ =	sdelay $0x3  }
0x33: {  	p0 =	seq.s32 s10, $0x1;
	s10 =	sld [smem:$0x3FB8];
	_ =	sdelay $0x3  }
0x34: {  	[smem:$0x3FB8] =	sst s10  }
0x35: {  	s10 =	sld [smem:$0x3FB7];
	_ =	sdelay $0x3  }
0x36: {  	p1 =	seq.s32 s10, $0x1;
	s10 =	sld [smem:$0x3FB8];
	_ =	sdelay $0x3  }
0x37: {  	[smem:$0x3FB8] =	sst s10  }
0x38: {  	s10 =	sld [smem:$0x3FB9]  }
0x39: {  	_ = 	snop;
	(pc) =	sbr.ind lr, $3  }
0x3a: {  	_ = 	snop  }
0x3b: {  	_ = 	snop  }
0x3c: {  	p2 =	seq.s32 s10, $0x1;
	s10 =	sld [smem:$0x3FB8]  }
0x3d: {  	_ =	shalt  }
0x3e: {  	_ =	shalt  }
0x3f: {  	_ =	shalt  }
0x40: {  	_ =	shalt  }
0x41: {  	_ =	shalt  }
0x42: {  	_ =	shalt  }
0x43: {  	_ =	shalt  }
0x44: {  	_ =	shalt  }
0x45: {  	_ =	shalt  }
0x46: {  	_ =	shalt  }
0x47: {  	_ =	shalt  }
0x48: {  	_ =	shalt  }
0x49: {  	_ =	shalt  }
0x4a: {  	_ =	shalt  }
0x4b: {  	_ =	shalt  }
0x4c: {  	_ =	shalt  }
0x4d: {  	_ =	shalt  }
0x4e: {  	_ =	shalt  }
0x4f: {  	_ =	shalt  }
0x50: {  	_ =	shalt  }
0x51: {  	_ =	shalt  }
0x52: {  	_ =	shalt  }
0x53: {  	_ =	shalt  }
0x54: {  	_ =	shalt  }
0x55: {  	_ =	shalt  }
0x56: {  	_ =	shalt  }
0x57: {  	_ =	shalt  }
0x58: {  	_ =	shalt  }
0x59: {  	_ =	shalt  }
0x5a: {  	_ =	shalt  }
0x5b: {  	_ =	shalt  }
0x5c: {  	_ =	shalt  }
0x5d: {  	_ =	shalt  }
0x5e: {  	_ =	shalt  }
0x5f: {  	_ =	shalt  }
0x60: {  	_ =	shalt  }
0x61: {  	_ =	shalt  }
0x62: {  	_ =	shalt  }
0x63: {  	_ =	shalt  }
0x64: {  	_ =	shalt  }
0x65: {  	_ =	shalt  }
0x66: {  	_ =	shalt  }
0x67: {  	_ =	shalt  }
0x68: {  	_ =	shalt  }
0x69: {  	_ =	shalt  }
0x6a: {  	_ =	shalt  }
0x6b: {  	_ =	shalt  }
0x6c: {  	_ =	shalt  }
0x6d: {  	_ =	shalt  }
0x6e: {  	_ =	shalt  }
0x6f: {  	_ =	shalt  }
0x70: {  	_ =	shalt  }
0x71: {  	_ =	shalt  }
0x72: {  	_ =	shalt  }
0x73: {  	_ =	shalt  }
0x74: {  	_ =	shalt  }
0x75: {  	_ =	shalt  }
0x76: {  	_ =	shalt  }
0x77: {  	_ =	shalt  }
0x78: {  	_ =	shalt  }
0x79: {  	_ =	shalt  }
0x7a: {  	_ =	shalt  }
0x7b: {  	_ =	shalt  }
0x7c: {  	_ =	shalt  }
0x7d: {  	_ =	shalt  }
0x7e: {  	_ =	shalt  }
0x7f: {  	_ =	shalt  }
0x80: {  	_ =	shalt  }
0x81: {  	_ =	shalt  }
0x82: {  	_ =	shalt  }
0x83: {  	_ =	shalt  }
0x84: {  	_ =	shalt  }
0x85: {  	_ =	shalt  }
0x86: {  	_ =	shalt  }
0x87: {  	_ =	shalt  }
.Lfunc_end0:
.L_simem_size_0:
called_computation_lowered:
.L_overlay_start_0:
0x88: {  	s2 =	sld [smem:$0x3FD9]  }
0x89: {  	s3 =	sld [smem:$0x3FFE];
	_ =	sdelay $0x1  }
0x8a: {  	s1 =	srdreg.scid  }
0x8b: {  	s0 =	sand.u32 $0x1, s1  }
0x8c: {  	s17 =	sshll.u32 s0, $0xA;
	s2 =	sadd.s32 s3, s2  }
0x8d: {  	s2 =	sadd.s32 s2, s17  }
0x8e: {  	[smem:$0x3FC4] =	sst s2  }
0x8f: {  	_ = 	snop  }
0x90: {  	s2 =	sld [smem:$0x3FD0];
	(tm) =	ssettm $0x1  }
0x91: {  	s18 =	sld [smem:$0x3FFB];
	_ =	sdelay $0x3  }
0x92: {  	_ =	strace s18  }
0x93: {  	s3 =	sld [smem:$0x3FFC];
	_ =	sdelay $0x3  }
0x94: {  	_ =	strace s3  }
0x95: {  	s3 =	sld [smem:$0x3FFD];
	_ =	sdelay $0x3  }
0x96: {  	_ =	strace s3  }
0x97: {  	_ =	strace $0x8FFFFFFF  }
0x98: {  	s19 =	sld [smem:$0x3FDB];
	_ =	sdelay $0x1  }
0x99: {  	s4 =	simm.s32 $_scs_section_size  }
0x9a: {  	s5 =	simm.s32 $_size__tile_overlayer_lowered;
	s6 =	simm.s32 $_tile_overlayer_lowered  }
0x9b: {  	s22 =	simm.s32 $0x1BFF;
	s21 =	sshll.u32 s6, $0x1;
	s3 =	sadd.s32 s4, s19  }
0x9c: {  	s7 =	simm.s32 $0x0;
	s20 =	sshll.u32 s5, $0x1;
	s5 =	sadd.s32 s21, s3  }
0x9d: {  	[timem:s7], [sflag:s22] =	dma.local [hbm:s5], s20  }
0x9e: {  	_ =	swait.ge [sflag:s22], s20  }
0x9f: {  	s4 =	ssub.s32 $0x0, s20;
	[sflag:s22] =	ssyncset.done $0x0  }
0xa0: {  	[sflag:s22] =	ssyncadd.s32 s4;
	_ =	sdelay $0x1  }
0xa1: {  	s23 =	simm.s32 $0x1B8B  }
0xa2: {  	_ =	swait.ge [sflag:s23], $0x1  }
0xa3: {  	[sflag:s23] =	ssyncset.done $0x0  }
0xa4: {  	s25 =	simm.s32 $0x1B8E;
	s24 =	sld [smem:$0x3FFE];
	[sflag:s23] =	ssyncadd.s32 $0xFFFFFFFF  }
0xa5: {  	s26 =	simm.s32 $execute0_lowered;
	[smem:$0x3FD2] =	sst s25  }
0xa6: {  	s5 =	sshll.u32 s26, $0x1;
	_ =	strace $0x80000046;
	[dreg:$0x1] =	wrdreg $0xFFFFFFFF  }
0xa7: {  	s28 =	simm.s32 $_size_execute0_lowered;
	s3 =	sadd.s32 s3, s5;
	[dreg:$0x0] =	wrdreg $0x0  }
0xa8: {  	s5 =	sshll.u32 s28, $0x1;
	[dreg:$0x2] =	wrdreg s3  }
0xa9: {  	[dreg:$0x3] =	wrdreg s5  }
0xaa: {  	[dreg:$0x4] =	wrdreg $0xC0  }
0xab: {  	_ =	task [dreg:s7], $0x5FFFF  }
0xac: {  	[dreg:$0x1] =	wrdreg $0xFFFFFFFF  }
0xad: {  	[dreg:$0x0] =	wrdreg $0x60  }
0xae: {  	[dreg:$0x2] =	wrdreg s24  }
0xaf: {  	[dreg:$0x3] =	wrdreg s2  }
0xb0: {  	[dreg:$0x4] =	wrdreg $0x159000  }
0xb1: {  	[dreg:$0x5] =	wrdreg $0x9  }
0xb2: {  	_ =	task.clear_ibuf [dreg:s7], $0x6FFFF;
	_ =	strace $0x90000046  }
0xb3: {  	s29 =	simm.s32 $0x9;
	_ =	strace $0x80000048  }
0xb4: {  	_ =	swait.ge [sflag:s29], $0x1  }
0xb5: {  	[sflag:s29] =	ssyncadd.s32 $0xFFFFFFFF  }
0xb6: {  	_ =	strace $0x90000048  }
0xb7: {  	_ =	sfence  }
0xb8: {  	s30 =	sld [smem:$0x0];
	_ =	sdelay $0x2  }
0xb9: {  	s31 =	sshll.u32 s1, $0xD;
	s1 =	sshrl.u32 s1, $0x2  }
0xba: {  	s3 =	sand.u32 $0x4000, s31;
	s1 =	sadd.s32 s1, s30  }
0xbb: {  	s0 =	sor.u32 s3, s0;
	s1 =	sshll.u32 s1, $0x11  }
0xbc: {  	s0 =	sor.u32 s1, s0  }
0xbd: {  	s0 =	sadd.s32 $0x8F2B, s0  }
0xbe: {  	[sflag:s0] =	ssyncadd.remote.s32 $0x1  }
0xbf: {  	_ =	sfence.sel $0xFFFF  }
0xc0: {  	[dreg:$0x0] =	wrdreg $0xFFFFFFFF;
	(pc) =	sbr.abs _section_cstart, $3  }
0xc1: {  	[dreg:$0x1] =	wrdreg $0xFFFFFFFF  }
0xc2: {  	_ =	task.clear_ibuf [dreg:s7], $0x2FFFF;
	_ =	strace $0x9FFFFFFF  }
0xc3: {  	(tm) =	ssettm $0x7FFFFFFF  }
tec
execute0_lowered:
.L_overlay_start_1:
0x0: {  	(tag) =	ssettag $0x1  }
0x1: {  	s1 =	rddreg [dreg:$0x0];
	s2 =	srdreg.scid  }
0x2: {  	s0 =	stileid.u32;
	s9 =	rddreg [dreg:$0x1];
	s14 =	simm.s32 $0x9  }
0x3: {  	s15 =	simm.s32 $0xA0;
	s16 =	simm.s32 $0x1900;
	s19 =	simm.s32 $0xB900  }
0x4: {  	s21 =	simm.s32 $0x10900;
	s28 =	simm.s32 $0x7;
	s29 =	simm.s32 $0x8  }
0x5: {  	s30 =	simm.s32 $0x0;
	s7 =	sand.u32 $0x1, s2;
	s6 =	smul.u32 $0x1280, s0  }
0x6: {  	s3 =	sshll.u32 s0, $0x1;
	s2 =	rddreg [dreg:$0x2];
	s10 =	smul.u32 $0x25000, s0  }
0x7: {  	s26 =	smul.u32 $0x32000, s0;
	p0 =	seq.s32 s0, $0xF;
	s5 =	sor.u32 s7, s3  }
0x8: {  	s3 =	simm.s32 $0x0;
	s8 =	ssub.s32 $0x2, s7;
	s31 =	smul.u32 $0x19000, s7  }
0x9: {  	s12 =	sadd.s32 $0x8AC00, s2;
	s4 =	smul.u32 $0x1900, s5;
	[smem:$0x7FF] =	sst s3  }
0xa: {  	s22 =	sshrl.u32 s8, $0x1;
	s6 =	sadd.s32 s6, s1;
	s23 =	sshrl.u32 s10, $0x2  }
0xb: {  	s25 =	smul.u32 $0x19000, s5;
	s5 =	sadd.s32 $0x12380, s1;
	_ =	strace $0x80000047  }
0xc: {  	s8 =	ssub.s32 s8, s22;
	s13 =	sadd.s32 s23, s2;
	s24 =	sadd.s32 $0xE00, s6  }
0xd: {  	s22 =	simm.s32 $0x1;
	s23 =	simm.s32 $0x3;
	s4 =	sshrl.u32 s4, $0x3  }
0xe: {  	[dreg:$0x4] =	wrdreg s24;
	s10 =	sadd.s32 s9, s25;
	s7 =	smax.u32 s8, $0x1  }
.Ltmp0:
0xf: {  	s13 =	sshrl.u32 @!p0 s13, $0x3;
	s24 =	simm.s32 $0x4;
	(pc) =	sbr.rel .LBB2_1-.Ltmp0, $4  }
0x10: {  	s25 =	simm.s32 $0x5;
	s11 =	sadd.s32 s4, s1;
	s1 =	sadd.s32 s26, s9  }
0x11: {  	s8 =	sadd.s32 $0x17200, s10;
	s9 =	sadd.s32 $0x18600, s10;
	s1 =	sadd.s32 s31, s1  }
0x12: {  	s26 =	simm.s32 $0x6;
	s10 =	sadd.s32 $0x1E00, s1;
	s1 =	sshll.u32 @!p0 s0, $0x6  }
0x13: {  	s6 =	sadd.s32 $0x13400, s11;
	s11 =	sshrl.u32 @p0 s12, $0x3;
	s12 =	sor.u32 @!p0 $0x1C09, s1  }
.LBB2_4:
0x14: {  	_ =	swait.ge [sflag:s24], $0x5000  }
0x15: {  	[sflag:s24] =	ssyncset.done $0x0  }
0x16: {  	[sflag:s24] =	ssyncadd.s32 $0xFFFFB000  }
0x17: {  	[hbm4b:s9+s3] =	stream.linear.scatter [tilespmem:s21], [sflag:$0x8], $0x5000, $0x38;
	[tilespmem:$0x1EB40] =	vst v63  }
0x18: {  	_ =	swait.ge [sflag:s25], $0x5000  }
0x19: {  	[sflag:s25] =	ssyncset.done $0x0  }
0x1a: {  	[sflag:s25] =	ssyncadd.s32 $0xFFFFB000  }
0x1b: {  	_ =	swait.ge [sflag:s26], $0x5000  }
0x1c: {  	[sflag:s26] =	ssyncset.done $0x0  }
0x1d: {  	s30 =	sadd.s32 $0x1, s30;
	[sflag:s26] =	ssyncadd.s32 $0xFFFFB000  }
0x1e: {  	p1 =	sne.s32 s30, s7;
	_ =	swait.ge [sflag:s28], $0x5000  }
.Ltmp1:
0x1f: {  	[sflag:s28] =	ssyncset.done $0x0;
	(pc) =	sbr.rel @!p1 .LBB2_5-.Ltmp1, $4  }
0x20: {  	[sflag:s28] =	ssyncadd.s32 $0xFFFFB000  }
0x21: {  	_ =	swait.ge [sflag:s29], $0x5000  }
0x22: {  	[sflag:s29] =	ssyncset.done $0x0  }
0x23: {  	[sflag:s29] =	ssyncadd.s32 $0xFFFFB000  }
.LBB2_1:
0x24: {  	s1 =	simm.s32 @p0 $0x1FC9  }
0x25: {  	[spmem:s11], [sflag:s1] =	dma.local @p0 [hbm:s5], $0xF00  }
0x26: {  	s1 =	simm.s32 @p0 $0x9  }
0x27: {  	_ =	swait.ge @p0 [sflag:s1], $0xF00  }
0x28: {  	[sflag:s1] =	ssyncset.done @p0 $0x0  }
0x29: {  	s0 =	rddreg [dreg:$0x4];
	[sflag:s1] =	ssyncadd.s32 @p0 $0xFFFFF100;
	s1 =	simm.s32 @!p0 $0x9  }
0x2a: {  	[spmem:s13], [sflag:s12] =	dma.local @!p0 [hbm:s0], $0x1280  }
0x2b: {  	_ =	swait.ge @!p0 [sflag:s1], $0x1280  }
0x2c: {  	[sflag:s1] =	ssyncset.done @!p0 $0x0  }
0x2d: {  	[sflag:s1] =	ssyncadd.s32 @!p0 $0xFFFFED80  }
0x2e: {  	[tilespmem:s3], [sflag:$0x9] =	stream.linear.gather [hbm4b:s6+s3], $0x1900, $0x38;
	[tilespmem:$0x1EB40] =	vst v63  }
0x2f: {  	_ =	swait.ge [sflag:s14], $0x1900  }
0x30: {  	[sflag:s14] =	ssyncset.done $0x0  }
0x31: {  	[sflag:s14] =	ssyncadd.s32 $0xFFFFE700  }
0x32: {  	[bflag:$0x0] =	sbarrier.arrive $0xFFFF  }
0x33: {  	[tilespmem:s16], [sflag:$0x1] =	stream.indirect.gather [spmem:s2], $0x80, s3, s15, $0xb8;
	[tilespmem:$0x1EB40] =	vst v63  }
0x34: {  	s17 =	simm.s32 $0x6900  }
0x35: {  	[tilespmem:s17], [sflag:$0x2] =	stream.indirect.gather [spmem:s2], $0x80, s15, s15, $0xb8;
	[tilespmem:$0x1EB40] =	vst v63  }
0x36: {  	s18 =	simm.s32 $0x140  }
0x37: {  	[tilespmem:s19], [sflag:$0x3] =	stream.indirect.gather [spmem:s2], $0x80, s18, s15, $0xb8;
	[tilespmem:$0x1EB40] =	vst v63  }
0x38: {  	s20 =	simm.s32 $0x1E0;
	s31 =	smov.u32 s10;
	s1 =	simm.s32 $0x0  }
0x39: {  	[tilespmem:s21], [sflag:$0x4] =	stream.indirect.gather [spmem:s2], $0x80, s20, s15, $0xb8;
	[tilespmem:$0x1EB40] =	vst v63  }
.LBB2_2:
0x3a: {  	_ =	swait.ge [sflag:s22], $0x5000  }
0x3b: {  	[sflag:s22] =	ssyncset.done $0x0  }
0x3c: {  	s0 =	sadd.s32 $0xFFFFE200, s31;
	p1 =	seq.s32 s1, $0x5A00;
	[sflag:s22] =	ssyncadd.s32 $0xFFFFB000  }
0x3d: {  	[hbm4b:s0+s3] =	stream.linear.scatter [tilespmem:s16], [sflag:$0x5], $0x5000, $0x38;
	[tilespmem:$0x1EB40] =	vst v63  }
0x3e: {  	s0 =	simm.s32 @p1 $0x2  }
0x3f: {  	_ =	swait.ge @p1 [sflag:s0], $0x5000  }
0x40: {  	[sflag:s0] =	ssyncset.done @p1 $0x0  }
0x41: {  	s17 =	simm.s32 @p1 $0x6900;
	[sflag:s0] =	ssyncadd.s32 @p1 $0xFFFFB000;
	s0 =	simm.s32 @p1 $0x0  }
0x42: {  	[hbm4b:s8+s0] =	stream.linear.scatter @p1 [tilespmem:s17], [sflag:$0x6], $0x5000, $0x38;
	[tilespmem:$0x1EB40] =	vst v63  }
0x43: {  	s0 =	simm.s32 @!p1 $0x5  }
0x44: {  	_ =	swait.ge @!p1 [sflag:s0], $0x5000  }
0x45: {  	[sflag:s0] =	ssyncset.done @!p1 $0x0  }
0x46: {  	[sflag:s0] =	ssyncadd.s32 @!p1 $0xFFFFB000;
	s0 =	sshra.s32 @!p1 s1, $0x2  }
0x47: {  	s18 =	simm.s32 @!p1 $0xA0;
	s20 =	simm.s32 @!p1 $0x1900;
	s17 =	sadd.s32 @!p1 $0x280, s0  }
0x48: {  	[tilespmem:s20], [sflag:$0x1] =	stream.indirect.gather @!p1 [spmem:s2], $0x80, s17, s18, $0xb8;
	[tilespmem:$0x1EB40] =	vst v63  }
0x49: {  	s17 =	simm.s32 @!p1 $0x2  }
0x4a: {  	_ =	swait.ge @!p1 [sflag:s17], $0x5000  }
0x4b: {  	s4 =	simm.s32 @!p1 $0x6900;
	[sflag:s17] =	ssyncset.done @!p1 $0x0  }
0x4c: {  	s20 =	simm.s32 @!p1 $0x0;
	[sflag:s17] =	ssyncadd.s32 @!p1 $0xFFFFB000;
	s17 =	sadd.s32 @!p1 $0xFFFFEC00, s31  }
0x4d: {  	[hbm4b:s17+s20] =	stream.linear.scatter @!p1 [tilespmem:s4], [sflag:$0x6], $0x5000, $0x38;
	[tilespmem:$0x1EB40] =	vst v63  }
0x4e: {  	s17 =	simm.s32 @!p1 $0x6  }
0x4f: {  	_ =	swait.ge @!p1 [sflag:s17], $0x5000  }
0x50: {  	[sflag:s17] =	ssyncset.done @!p1 $0x0  }
0x51: {  	s0 =	sadd.s32 @!p1 $0x320, s0;
	[sflag:s17] =	ssyncadd.s32 @!p1 $0xFFFFB000  }
0x52: {  	[tilespmem:s4], [sflag:$0x2] =	stream.indirect.gather @!p1 [spmem:s2], $0x80, s0, s18, $0xb8;
	[tilespmem:$0x1EB40] =	vst v63  }
.Ltmp2:
0x53: {  	_ = 	snop;
	(pc) =	sbr.rel @p1 .LBB2_4-.Ltmp2, $4  }
0x54: {  	_ =	swait.ge [sflag:s23], $0x5000  }
0x55: {  	[sflag:s23] =	ssyncset.done $0x0  }
0x56: {  	s20 =	sadd.s32 $0xFFFFF600, s31;
	[sflag:s23] =	ssyncadd.s32 $0xFFFFB000  }
0x57: {  	[hbm4b:s20+s3] =	stream.linear.scatter [tilespmem:s19], [sflag:$0x7], $0x5000, $0x38;
	[tilespmem:$0x1EB40] =	vst v63  }
0x58: {  	_ =	swait.ge [sflag:s28], $0x5000  }
0x59: {  	s0 =	sshra.s32 s1, $0x2;
	[sflag:s28] =	ssyncset.done $0x0  }
0x5a: {  	s4 =	sadd.s32 $0x3C0, s0;
	[sflag:s28] =	ssyncadd.s32 $0xFFFFB000  }
0x5b: {  	[tilespmem:s19], [sflag:$0x3] =	stream.indirect.gather [spmem:s2], $0x80, s4, s15, $0xb8;
	[tilespmem:$0x1EB40] =	vst v63  }
0x5c: {  	_ =	swait.ge [sflag:s24], $0x5000  }
0x5d: {  	[sflag:s24] =	ssyncset.done $0x0  }
0x5e: {  	[sflag:s24] =	ssyncadd.s32 $0xFFFFB000  }
0x5f: {  	[hbm4b:s31+s3] =	stream.linear.scatter [tilespmem:s21], [sflag:$0x8], $0x5000, $0x38;
	[tilespmem:$0x1EB40] =	vst v63  }
.Ltmp3:
0x60: {  	_ = 	snop;
	(pc) =	sbr.rel .LBB2_2-.Ltmp3, $4  }
0x61: {  	_ =	swait.ge [sflag:s29], $0x5000  }
0x62: {  	s1 =	sadd.s32 $0xA00, s1;
	[sflag:s29] =	ssyncset.done $0x0  }
0x63: {  	s0 =	sadd.s32 $0x460, s0;
	s31 =	sadd.s32 $0x2800, s31;
	[sflag:s29] =	ssyncadd.s32 $0xFFFFB000  }
0x64: {  	[tilespmem:s21], [sflag:$0x4] =	stream.indirect.gather [spmem:s2], $0x80, s0, s15, $0xb8;
	[tilespmem:$0x1EB40] =	vst v63  }
.LBB2_5:
0x65: {  	_ =	sfence.sel $0x180000  }
0x66: {  	[bflag:$0x0] =	sbarrier.arrive $0xFFFF  }
0x67: {  	_ =	strace $0x90000047  }
0x68: {  	s0 =	stileid.u32;
	[bflag:$0x2] =	sbarrier.arrive $0xFFFF  }
0x69: {  	p0 =	sne.s32 s0, $0x0;
	s0 =	rddreg [dreg:$0x3]  }
0x6a: {  	s0 =	sadd.s32 @!p0 $0x100000, s0  }
0x6b: {  	[sflag:s0] =	ssyncadd.tile.s32 @!p0 $0x1;
	_ =	shalt  }
.Lfunc_end2:
_tile_overlayer_lowered:
.L_overlay_start_2:
0x6c: {  	(tag) =	ssettag $0x2  }
0x6d: {  	s0 =	rddreg [dreg:$0x0];
	s2 =	stileid.u32  }
0x6e: {  	s1 =	rddreg [dreg:$0x1];
	p0 =	sne.s32 s2, $0x0  }
0x6f: {  	s3 =	rddreg [dreg:$0x2];
	[bflag:$0x3] =	sbarrier.arrive $0xFFFF;
	s2 =	simm.s32 @!p0 $0x1C09  }
0x70: {  	[timem:s3], [sflag:s2] =	dma.local @!p0 [hbm:s0], s1  }
0x71: {  	s0 =	simm.s32 @!p0 $0x9  }
0x72: {  	_ =	swait.ge @!p0 [sflag:s0], s1  }
0x73: {  	s1 =	ssub.s32 @!p0 $0x0, s1;
	[sflag:s0] =	ssyncset.done @!p0 $0x0  }
0x74: {  	[sflag:s0] =	ssyncadd.s32 @!p0 s1  }
0x75: {  	[bflag:$0x3] =	sbarrier.arrive $0xFFFF  }
0x76: {  	_ =	shalt  }

</sc_bundles>
